<compile_context>
chip_gen: v7x
topology: tpu7x:2x2x1
jax: 0.10.2.dev20260603
libtpu: 0.0.44.dev20260713+nightly
codegen_flags: <defaults>
</compile_context>

<pallas_src>
import functools
import math

import jax
import jax.numpy as jnp
from jax import lax
from jax.experimental import pallas as pl
from jax.experimental.pallas import tpu as pltpu
from jax.experimental.pallas import tpu_sc as plsc

EMB = 128
SCALE = math.sqrt(EMB)
LANES = 16
CHUNK = 128
NBUF = 5


def _sc_embed(total, table, idx3d):
    info = plsc.get_sparse_core_info()
    nw = info.num_cores * info.num_subcores
    per_w = total // nw
    chunks = per_w // CHUNK
    assert chunks % NBUF == 0

    mesh = plsc.VectorSubcoreMesh(core_axis_name="c", subcore_axis_name="s")

    @functools.partial(
        pl.kernel,
        mesh=mesh,
        out_type=jax.ShapeDtypeStruct((total, EMB), jnp.float32),
        scratch_types=(
            [pltpu.VMEM((chunks, CHUNK), jnp.int32)]
            + [pltpu.VMEM((CHUNK, EMB), jnp.float32) for _ in range(NBUF)]
            + [pltpu.SemaphoreType.DMA, pltpu.SemaphoreType.DMA]
        ),
    )
    def k(table_hbm, idx_hbm, out_hbm, idx_v, *bufs_sems):
        bufs = list(bufs_sems[:NBUF])
        sem_in, sem_out = bufs_sems[NBUF:]
        wid = lax.axis_index("s") * info.num_cores + lax.axis_index("c")
        base = wid * per_w
        pltpu.sync_copy(idx_hbm.at[wid], idx_v)

        def gather(j, buf):
            return pltpu.make_async_copy(table_hbm.at[idx_v.at[j]], buf,
                                         sem_in)

        def out_copy(j, buf):
            return pltpu.make_async_copy(
                buf, out_hbm.at[pl.ds(base + j * CHUNK, CHUNK)], sem_out)

        def scale(buf):
            @plsc.parallel_loop(0, CHUNK, unroll=4)
            def row(r):
                for c in range(EMB // LANES):
                    sl = pl.ds(c * LANES, LANES)
                    buf[r, sl] = buf[r, sl] * SCALE

        for j in range(NBUF - 1):
            gather(j, bufs[j]).start()

        def outer(g, carry):
            for b in range(NBUF):
                j = g * NBUF + b
                gather(j, bufs[b]).wait()
                scale(bufs[b])

                @pl.when(j >= 1)
                def _():
                    out_copy(j - 1, bufs[(b - 1) % NBUF]).wait()

                out_copy(j, bufs[b]).start()

                @pl.when(j + NBUF - 1 < chunks)
                def _():
                    gather(j + NBUF - 1, bufs[(b + NBUF - 1) % NBUF]).start()

            return carry

        lax.fori_loop(0, chunks // NBUF, outer, 0)
        out_copy(chunks - 1, bufs[(chunks - 1) % NBUF]).wait()

    return k(table, idx3d)


def kernel(tokens, table):
    b, t = tokens.shape
    total = b * t
    info = plsc.get_sparse_core_info()
    nw = info.num_cores * info.num_subcores
    idx3d = tokens.astype(jnp.int32).T.reshape(nw, total // (nw * CHUNK), CHUNK)
    flat = _sc_embed(total, table, idx3d)
    return flat.reshape(t, b, EMB).transpose(1, 0, 2)

# --- scband reference (transcript-rebuilt; emitter-appended) ---
"""Pipeline reference for scband-vocab-idtransformer-embedding-78013785965131 (READ-ONLY COPY).

The authoritative reference and input builder live on the scoring server;
editing this copy changes nothing except your own understanding.
"""

import jax, jax.numpy as jnp
import numpy as np
import math

VOCAB = 100000
EMB = 128

def setup_inputs(seed: int = 0) -> dict:
    key = jax.random.key(seed)
    k1, k2 = jax.random.split(key)
    tokens = jax.random.randint(k1, (4096, 50), 0, VOCAB, dtype=jnp.int64)
    table = jax.random.normal(k2, (VOCAB, EMB), dtype=jnp.float32)
    return {"tokens": tokens, "table": table}

def reference(tokens, table):
    # nn.Embedding lookup followed by scale by sqrt(emb_size)
    emb = jnp.take(table, tokens.astype(jnp.int32), axis=0)
    return emb * math.sqrt(EMB)

if __name__ == "__main__":
    import jax
    _d = setup_inputs()
    print(jax.jit(kernel)(*tuple(_d.values())))

</pallas_src>

<mosaic_0001>
#map = affine_map<(d0, d1) -> (0, 0)>
#map1 = affine_map<(d0, d1) -> (0, 0, 0)>
module attributes {stable_mosaic.version = 14 : i64} {
  func.func @k(%arg0: i32, %arg1: i32, %arg2: memref<100000x128xf32, #tpu.memory_space<hbm>>, %arg3: memref<32x50x128xi32, #tpu.memory_space<hbm>>, %arg4: memref<204800x128xf32, #tpu.memory_space<hbm>>, %arg5: memref<50x128xi32, #tpu.memory_space<vmem>>, %arg6: memref<128x128xf32, #tpu.memory_space<vmem>>, %arg7: memref<128x128xf32, #tpu.memory_space<vmem>>, %arg8: memref<128x128xf32, #tpu.memory_space<vmem>>, %arg9: memref<128x128xf32, #tpu.memory_space<vmem>>, %arg10: memref<128x128xf32, #tpu.memory_space<vmem>>, %arg11: memref<!tpu.dma_semaphore, #tpu.memory_space<semaphore_mem>>, %arg12: memref<!tpu.dma_semaphore, #tpu.memory_space<semaphore_mem>>) attributes {dimension_semantics = [#tpu.dimension_semantics<core_parallel>, #tpu.dimension_semantics<subcore_parallel>], iteration_bounds = array<i64: 2, 16>, scalar_prefetch = 0 : i64, scratch_operands = 8 : i64, tpu.core_type = #tpu.core_type<sc_vector_subcore>, window_params = [{transform_indices = #map}, {transform_indices = #map1}, {transform_indices = #map}]} {
    %mul3A = arith.constant 2 : i32
    %mul3A_0 = arith.muli %arg1, %mul3A : i32
    %add3A = arith.addi %mul3A_0, %arg0 : i32
    %mul3A_1 = arith.constant 6400 : i32
    %mul3A_2 = arith.muli %add3A, %mul3A_1 : i32
    "tpu.region"() ({
      %run_scoped3A = tpu.sem_alloc : memref<!tpu.dma_semaphore, #tpu.memory_space<semaphore_mem>>
      %dma_start3A_40 = arith.constant 0 : i32
      %dma_start3A_41 = arith.constant 0 : i32
      %dma_start3A_42 = tpu.memref_slice %arg3[%add3A, %dma_start3A_40, %dma_start3A_41] : memref<32x50x128xi32, #tpu.memory_space<hbm>> -> memref<1x50x128xi32, #tpu.memory_space<hbm>>
      %dma_start3A_43 = tpu.memref_squeeze %dma_start3A_42 : memref<1x50x128xi32, #tpu.memory_space<hbm>> -> memref<50x128xi32, #tpu.memory_space<hbm>>
      %dma_start3A_44 = arith.constant 0 : i32
      %dma_start3A_45 = arith.constant 0 : i32
      %dma_start3A_46 = tpu.memref_slice %arg3[%add3A, %dma_start3A_44, %dma_start3A_45] : memref<32x50x128xi32, #tpu.memory_space<hbm>> -> memref<1x50x128xi32, #tpu.memory_space<hbm>>
      %dma_start3A_47 = tpu.memref_squeeze %dma_start3A_46 : memref<1x50x128xi32, #tpu.memory_space<hbm>> -> memref<50x128xi32, #tpu.memory_space<hbm>>
      tpu.enqueue_dma source(%dma_start3A_47 : memref<50x128xi32, #tpu.memory_space<hbm>>) target(%arg5 : memref<50x128xi32, #tpu.memory_space<vmem>>) target_semaphore(%run_scoped3A : memref<!tpu.dma_semaphore, #tpu.memory_space<semaphore_mem>>)
      %dma_wait3A_48 = arith.constant 0 : i32
      %dma_wait3A_49 = arith.constant 0 : i32
      %dma_wait3A_50 = tpu.memref_slice %arg3[%add3A, %dma_wait3A_48, %dma_wait3A_49] : memref<32x50x128xi32, #tpu.memory_space<hbm>> -> memref<1x50x128xi32, #tpu.memory_space<hbm>>
      %dma_wait3A_51 = tpu.memref_squeeze %dma_wait3A_50 : memref<1x50x128xi32, #tpu.memory_space<hbm>> -> memref<50x128xi32, #tpu.memory_space<hbm>>
      %dma_wait3A_52 = arith.constant 0 : i32
      %dma_wait3A_53 = arith.constant 0 : i32
      %dma_wait3A_54 = tpu.memref_slice %arg3[%add3A, %dma_wait3A_52, %dma_wait3A_53] : memref<32x50x128xi32, #tpu.memory_space<hbm>> -> memref<1x50x128xi32, #tpu.memory_space<hbm>>
      %dma_wait3A_55 = tpu.memref_squeeze %dma_wait3A_54 : memref<1x50x128xi32, #tpu.memory_space<hbm>> -> memref<50x128xi32, #tpu.memory_space<hbm>>
      tpu.wait_dma2 semaphore(%run_scoped3A : memref<!tpu.dma_semaphore, #tpu.memory_space<semaphore_mem>>) src(%dma_wait3A_55 : memref<50x128xi32, #tpu.memory_space<hbm>>) dst(%arg5 : memref<50x128xi32, #tpu.memory_space<vmem>>)
      tpu.yield
    }) : () -> ()
    %dma_start3A = arith.constant 0 : i32
    %dma_start3A_3 = arith.constant 0 : i32
    %dma_start3A_4 = tpu.memref_slice %arg5[%dma_start3A, %dma_start3A_3] : memref<50x128xi32, #tpu.memory_space<vmem>> -> memref<1x128xi32, #tpu.memory_space<vmem>>
    %dma_start3A_5 = tpu.memref_squeeze %dma_start3A_4 : memref<1x128xi32, #tpu.memory_space<vmem>> -> memref<128xi32, #tpu.memory_space<vmem>>
    %dma_start3A_6 = arith.constant 0 : i32
    %dma_start3A_7 = arith.constant 0 : i32
    %dma_start3A_8 = tpu.memref_slice %arg2[%dma_start3A_6, %dma_start3A_7] : memref<100000x128xf32, #tpu.memory_space<hbm>> -> memref<100000x128xf32, #tpu.memory_space<hbm>>
    tpu.enqueue_indirect_dma source(%dma_start3A_8 : memref<100000x128xf32, #tpu.memory_space<hbm>>) target(%arg6 : memref<128x128xf32, #tpu.memory_space<vmem>>) offsets(%dma_start3A_5 : memref<128xi32, #tpu.memory_space<vmem>>) semaphore(%arg11 : memref<!tpu.dma_semaphore, #tpu.memory_space<semaphore_mem>>)
    %dma_start3A_9 = arith.constant 1 : i32
    %dma_start3A_10 = arith.constant 0 : i32
    %dma_start3A_11 = tpu.memref_slice %arg5[%dma_start3A_9, %dma_start3A_10] : memref<50x128xi32, #tpu.memory_space<vmem>> -> memref<1x128xi32, #tpu.memory_space<vmem>>
    %dma_start3A_12 = tpu.memref_squeeze %dma_start3A_11 : memref<1x128xi32, #tpu.memory_space<vmem>> -> memref<128xi32, #tpu.memory_space<vmem>>
    %dma_start3A_13 = arith.constant 0 : i32
    %dma_start3A_14 = arith.constant 0 : i32
    %dma_start3A_15 = tpu.memref_slice %arg2[%dma_start3A_13, %dma_start3A_14] : memref<100000x128xf32, #tpu.memory_space<hbm>> -> memref<100000x128xf32, #tpu.memory_space<hbm>>
    tpu.enqueue_indirect_dma source(%dma_start3A_15 : memref<100000x128xf32, #tpu.memory_space<hbm>>) target(%arg7 : memref<128x128xf32, #tpu.memory_space<vmem>>) offsets(%dma_start3A_12 : memref<128xi32, #tpu.memory_space<vmem>>) semaphore(%arg11 : memref<!tpu.dma_semaphore, #tpu.memory_space<semaphore_mem>>)
    %dma_start3A_16 = arith.constant 2 : i32
    %dma_start3A_17 = arith.constant 0 : i32
    %dma_start3A_18 = tpu.memref_slice %arg5[%dma_start3A_16, %dma_start3A_17] : memref<50x128xi32, #tpu.memory_space<vmem>> -> memref<1x128xi32, #tpu.memory_space<vmem>>
    %dma_start3A_19 = tpu.memref_squeeze %dma_start3A_18 : memref<1x128xi32, #tpu.memory_space<vmem>> -> memref<128xi32, #tpu.memory_space<vmem>>
    %dma_start3A_20 = arith.constant 0 : i32
    %dma_start3A_21 = arith.constant 0 : i32
    %dma_start3A_22 = tpu.memref_slice %arg2[%dma_start3A_20, %dma_start3A_21] : memref<100000x128xf32, #tpu.memory_space<hbm>> -> memref<100000x128xf32, #tpu.memory_space<hbm>>
    tpu.enqueue_indirect_dma source(%dma_start3A_22 : memref<100000x128xf32, #tpu.memory_space<hbm>>) target(%arg8 : memref<128x128xf32, #tpu.memory_space<vmem>>) offsets(%dma_start3A_19 : memref<128xi32, #tpu.memory_space<vmem>>) semaphore(%arg11 : memref<!tpu.dma_semaphore, #tpu.memory_space<semaphore_mem>>)
    %dma_start3A_23 = arith.constant 3 : i32
    %dma_start3A_24 = arith.constant 0 : i32
    %dma_start3A_25 = tpu.memref_slice %arg5[%dma_start3A_23, %dma_start3A_24] : memref<50x128xi32, #tpu.memory_space<vmem>> -> memref<1x128xi32, #tpu.memory_space<vmem>>
    %dma_start3A_26 = tpu.memref_squeeze %dma_start3A_25 : memref<1x128xi32, #tpu.memory_space<vmem>> -> memref<128xi32, #tpu.memory_space<vmem>>
    %dma_start3A_27 = arith.constant 0 : i32
    %dma_start3A_28 = arith.constant 0 : i32
    %dma_start3A_29 = tpu.memref_slice %arg2[%dma_start3A_27, %dma_start3A_28] : memref<100000x128xf32, #tpu.memory_space<hbm>> -> memref<100000x128xf32, #tpu.memory_space<hbm>>
    tpu.enqueue_indirect_dma source(%dma_start3A_29 : memref<100000x128xf32, #tpu.memory_space<hbm>>) target(%arg9 : memref<128x128xf32, #tpu.memory_space<vmem>>) offsets(%dma_start3A_26 : memref<128xi32, #tpu.memory_space<vmem>>) semaphore(%arg11 : memref<!tpu.dma_semaphore, #tpu.memory_space<semaphore_mem>>)
    %scan3A = arith.constant 0 : i32
    %scan3A_30 = arith.constant 0 : i32
    %scan3A_31 = arith.constant 10 : i32
    %scan3A_32 = arith.addi %scan3A_30, %scan3A_31 : i32
    %scan3A_33 = arith.constant 1 : i32
    scf.for %scan3A_40 = %scan3A_30 to %scan3A_32 step %scan3A_33  : i32 {
      %mul3A_41 = arith.constant 5 : i32
      %mul3A_42 = arith.muli %scan3A_40, %mul3A_41 : i32
      %add3A_43 = arith.constant 0 : i32
      %add3A_44 = arith.addi %mul3A_42, %add3A_43 : i32
      %dma_wait3A_45 = arith.constant 0 : i32
      %dma_wait3A_46 = tpu.memref_slice %arg5[%add3A_44, %dma_wait3A_45] : memref<50x128xi32, #tpu.memory_space<vmem>> -> memref<1x128xi32, #tpu.memory_space<vmem>>
      %dma_wait3A_47 = tpu.memref_squeeze %dma_wait3A_46 : memref<1x128xi32, #tpu.memory_space<vmem>> -> memref<128xi32, #tpu.memory_space<vmem>>
      %dma_wait3A_48 = arith.constant 0 : i32
      %dma_wait3A_49 = arith.constant 0 : i32
      %dma_wait3A_50 = tpu.memref_slice %arg2[%dma_wait3A_48, %dma_wait3A_49] : memref<100000x128xf32, #tpu.memory_space<hbm>> -> memref<100000x128xf32, #tpu.memory_space<hbm>>
      tpu.wait_indirect_dma semaphore(%arg11 : memref<!tpu.dma_semaphore, #tpu.memory_space<semaphore_mem>>) src(%dma_wait3A_50 : memref<100000x128xf32, #tpu.memory_space<hbm>>) dst(%arg6 : memref<128x128xf32, #tpu.memory_space<vmem>>)
      %parallel_loop3A = arith.constant 0 : i32
      %parallel_loop3A_51 = arith.constant 128 : i32
      %parallel_loop3A_52 = arith.constant 1 : i32
      scf.for %parallel_loop3A_205 = %parallel_loop3A to %parallel_loop3A_51 step %parallel_loop3A_52  : i32 {
        %parallel_loop3A_206 = arith.index_cast %parallel_loop3A_205 : i32 to index
        %parallel_loop3A_207 = arith.constant 0 : index
        %parallel_loop3A_208 = tpu.vector_load %arg6[%parallel_loop3A_206, %parallel_loop3A_207] {strides = array<i32>} : memref<128x128xf32, #tpu.memory_space<vmem>>, vector<1x16xf32>,
        %parallel_loop3A_209 = vector.shape_cast %parallel_loop3A_208 : vector<1x16xf32> to vector<16xf32>
        %parallel_loop3A_210 = arith.constant 11.3137083 : f32
        %parallel_loop3A_211 = vector.broadcast %parallel_loop3A_210 : f32 to vector<16xf32>
        %parallel_loop3A_212 = arith.mulf %parallel_loop3A_209, %parallel_loop3A_211 : vector<16xf32>
        %parallel_loop3A_213 = arith.index_cast %parallel_loop3A_205 : i32 to index
        %parallel_loop3A_214 = arith.constant 0 : index
        %parallel_loop3A_215 = tpu.vector_load %arg6[%parallel_loop3A_213, %parallel_loop3A_214] {strides = array<i32>} : memref<128x128xf32, #tpu.memory_space<vmem>>, vector<1x16xf32>,
        %parallel_loop3A_216 = vector.shape_cast %parallel_loop3A_215 : vector<1x16xf32> to vector<16xf32>
        %parallel_loop3A_217 = vector.shape_cast %parallel_loop3A_212 : vector<16xf32> to vector<1x16xf32>
        tpu.vector_store %arg6[%parallel_loop3A_213, %parallel_loop3A_214], %parallel_loop3A_217 {strides = array<i32>} : memref<128x128xf32, #tpu.memory_space<vmem>>, vector<1x16xf32>,
        %parallel_loop3A_218 = arith.index_cast %parallel_loop3A_205 : i32 to index
        %parallel_loop3A_219 = arith.constant 16 : index
        %parallel_loop3A_220 = tpu.vector_load %arg6[%parallel_loop3A_218, %parallel_loop3A_219] {strides = array<i32>} : memref<128x128xf32, #tpu.memory_space<vmem>>, vector<1x16xf32>,
        %parallel_loop3A_221 = vector.shape_cast %parallel_loop3A_220 : vector<1x16xf32> to vector<16xf32>
        %parallel_loop3A_222 = arith.constant 11.3137083 : f32
        %parallel_loop3A_223 = vector.broadcast %parallel_loop3A_222 : f32 to vector<16xf32>
        %parallel_loop3A_224 = arith.mulf %parallel_loop3A_221, %parallel_loop3A_223 : vector<16xf32>
        %parallel_loop3A_225 = arith.index_cast %parallel_loop3A_205 : i32 to index
        %parallel_loop3A_226 = arith.constant 16 : index
        %parallel_loop3A_227 = tpu.vector_load %arg6[%parallel_loop3A_225, %parallel_loop3A_226] {strides = array<i32>} : memref<128x128xf32, #tpu.memory_space<vmem>>, vector<1x16xf32>,
        %parallel_loop3A_228 = vector.shape_cast %parallel_loop3A_227 : vector<1x16xf32> to vector<16xf32>
        %parallel_loop3A_229 = vector.shape_cast %parallel_loop3A_224 : vector<16xf32> to vector<1x16xf32>
        tpu.vector_store %arg6[%parallel_loop3A_225, %parallel_loop3A_226], %parallel_loop3A_229 {strides = array<i32>} : memref<128x128xf32, #tpu.memory_space<vmem>>, vector<1x16xf32>,
        %parallel_loop3A_230 = arith.index_cast %parallel_loop3A_205 : i32 to index
        %parallel_loop3A_231 = arith.constant 32 : index
        %parallel_loop3A_232 = tpu.vector_load %arg6[%parallel_loop3A_230, %parallel_loop3A_231] {strides = array<i32>} : memref<128x128xf32, #tpu.memory_space<vmem>>, vector<1x16xf32>,
        %parallel_loop3A_233 = vector.shape_cast %parallel_loop3A_232 : vector<1x16xf32> to vector<16xf32>
        %parallel_loop3A_234 = arith.constant 11.3137083 : f32
        %parallel_loop3A_235 = vector.broadcast %parallel_loop3A_234 : f32 to vector<16xf32>
        %parallel_loop3A_236 = arith.mulf %parallel_loop3A_233, %parallel_loop3A_235 : vector<16xf32>
        %parallel_loop3A_237 = arith.index_cast %parallel_loop3A_205 : i32 to index
        %parallel_loop3A_238 = arith.constant 32 : index
        %parallel_loop3A_239 = tpu.vector_load %arg6[%parallel_loop3A_237, %parallel_loop3A_238] {strides = array<i32>} : memref<128x128xf32, #tpu.memory_space<vmem>>, vector<1x16xf32>,
        %parallel_loop3A_240 = vector.shape_cast %parallel_loop3A_239 : vector<1x16xf32> to vector<16xf32>
        %parallel_loop3A_241 = vector.shape_cast %parallel_loop3A_236 : vector<16xf32> to vector<1x16xf32>
        tpu.vector_store %arg6[%parallel_loop3A_237, %parallel_loop3A_238], %parallel_loop3A_241 {strides = array<i32>} : memref<128x128xf32, #tpu.memory_space<vmem>>, vector<1x16xf32>,
        %parallel_loop3A_242 = arith.index_cast %parallel_loop3A_205 : i32 to index
        %parallel_loop3A_243 = arith.constant 48 : index
        %parallel_loop3A_244 = tpu.vector_load %arg6[%parallel_loop3A_242, %parallel_loop3A_243] {strides = array<i32>} : memref<128x128xf32, #tpu.memory_space<vmem>>, vector<1x16xf32>,
        %parallel_loop3A_245 = vector.shape_cast %parallel_loop3A_244 : vector<1x16xf32> to vector<16xf32>
        %parallel_loop3A_246 = arith.constant 11.3137083 : f32
        %parallel_loop3A_247 = vector.broadcast %parallel_loop3A_246 : f32 to vector<16xf32>
        %parallel_loop3A_248 = arith.mulf %parallel_loop3A_245, %parallel_loop3A_247 : vector<16xf32>
        %parallel_loop3A_249 = arith.index_cast %parallel_loop3A_205 : i32 to index
        %parallel_loop3A_250 = arith.constant 48 : index
        %parallel_loop3A_251 = tpu.vector_load %arg6[%parallel_loop3A_249, %parallel_loop3A_250] {strides = array<i32>} : memref<128x128xf32, #tpu.memory_space<vmem>>, vector<1x16xf32>,
        %parallel_loop3A_252 = vector.shape_cast %parallel_loop3A_251 : vector<1x16xf32> to vector<16xf32>
        %parallel_loop3A_253 = vector.shape_cast %parallel_loop3A_248 : vector<16xf32> to vector<1x16xf32>
        tpu.vector_store %arg6[%parallel_loop3A_249, %parallel_loop3A_250], %parallel_loop3A_253 {strides = array<i32>} : memref<128x128xf32, #tpu.memory_space<vmem>>, vector<1x16xf32>,
        %parallel_loop3A_254 = arith.index_cast %parallel_loop3A_205 : i32 to index
        %parallel_loop3A_255 = arith.constant 64 : index
        %parallel_loop3A_256 = tpu.vector_load %arg6[%parallel_loop3A_254, %parallel_loop3A_255] {strides = array<i32>} : memref<128x128xf32, #tpu.memory_space<vmem>>, vector<1x16xf32>,
        %parallel_loop3A_257 = vector.shape_cast %parallel_loop3A_256 : vector<1x16xf32> to vector<16xf32>
        %parallel_loop3A_258 = arith.constant 11.3137083 : f32
        %parallel_loop3A_259 = vector.broadcast %parallel_loop3A_258 : f32 to vector<16xf32>
        %parallel_loop3A_260 = arith.mulf %parallel_loop3A_257, %parallel_loop3A_259 : vector<16xf32>
        %parallel_loop3A_261 = arith.index_cast %parallel_loop3A_205 : i32 to index
        %parallel_loop3A_262 = arith.constant 64 : index
        %parallel_loop3A_263 = tpu.vector_load %arg6[%parallel_loop3A_261, %parallel_loop3A_262] {strides = array<i32>} : memref<128x128xf32, #tpu.memory_space<vmem>>, vector<1x16xf32>,
        %parallel_loop3A_264 = vector.shape_cast %parallel_loop3A_263 : vector<1x16xf32> to vector<16xf32>
        %parallel_loop3A_265 = vector.shape_cast %parallel_loop3A_260 : vector<16xf32> to vector<1x16xf32>
        tpu.vector_store %arg6[%parallel_loop3A_261, %parallel_loop3A_262], %parallel_loop3A_265 {strides = array<i32>} : memref<128x128xf32, #tpu.memory_space<vmem>>, vector<1x16xf32>,
        %parallel_loop3A_266 = arith.index_cast %parallel_loop3A_205 : i32 to index
        %parallel_loop3A_267 = arith.constant 80 : index
        %parallel_loop3A_268 = tpu.vector_load %arg6[%parallel_loop3A_266, %parallel_loop3A_267] {strides = array<i32>} : memref<128x128xf32, #tpu.memory_space<vmem>>, vector<1x16xf32>,
        %parallel_loop3A_269 = vector.shape_cast %parallel_loop3A_268 : vector<1x16xf32> to vector<16xf32>
        %parallel_loop3A_270 = arith.constant 11.3137083 : f32
        %parallel_loop3A_271 = vector.broadcast %parallel_loop3A_270 : f32 to vector<16xf32>
        %parallel_loop3A_272 = arith.mulf %parallel_loop3A_269, %parallel_loop3A_271 : vector<16xf32>
        %parallel_loop3A_273 = arith.index_cast %parallel_loop3A_205 : i32 to index
        %parallel_loop3A_274 = arith.constant 80 : index
        %parallel_loop3A_275 = tpu.vector_load %arg6[%parallel_loop3A_273, %parallel_loop3A_274] {strides = array<i32>} : memref<128x128xf32, #tpu.memory_space<vmem>>, vector<1x16xf32>,
        %parallel_loop3A_276 = vector.shape_cast %parallel_loop3A_275 : vector<1x16xf32> to vector<16xf32>
        %parallel_loop3A_277 = vector.shape_cast %parallel_loop3A_272 : vector<16xf32> to vector<1x16xf32>
        tpu.vector_store %arg6[%parallel_loop3A_273, %parallel_loop3A_274], %parallel_loop3A_277 {strides = array<i32>} : memref<128x128xf32, #tpu.memory_space<vmem>>, vector<1x16xf32>,
        %parallel_loop3A_278 = arith.index_cast %parallel_loop3A_205 : i32 to index
        %parallel_loop3A_279 = arith.constant 96 : index
        %parallel_loop3A_280 = tpu.vector_load %arg6[%parallel_loop3A_278, %parallel_loop3A_279] {strides = array<i32>} : memref<128x128xf32, #tpu.memory_space<vmem>>, vector<1x16xf32>,
        %parallel_loop3A_281 = vector.shape_cast %parallel_loop3A_280 : vector<1x16xf32> to vector<16xf32>
        %parallel_loop3A_282 = arith.constant 11.3137083 : f32
        %parallel_loop3A_283 = vector.broadcast %parallel_loop3A_282 : f32 to vector<16xf32>
        %parallel_loop3A_284 = arith.mulf %parallel_loop3A_281, %parallel_loop3A_283 : vector<16xf32>
        %parallel_loop3A_285 = arith.index_cast %parallel_loop3A_205 : i32 to index
        %parallel_loop3A_286 = arith.constant 96 : index
        %parallel_loop3A_287 = tpu.vector_load %arg6[%parallel_loop3A_285, %parallel_loop3A_286] {strides = array<i32>} : memref<128x128xf32, #tpu.memory_space<vmem>>, vector<1x16xf32>,
        %parallel_loop3A_288 = vector.shape_cast %parallel_loop3A_287 : vector<1x16xf32> to vector<16xf32>
        %parallel_loop3A_289 = vector.shape_cast %parallel_loop3A_284 : vector<16xf32> to vector<1x16xf32>
        tpu.vector_store %arg6[%parallel_loop3A_285, %parallel_loop3A_286], %parallel_loop3A_289 {strides = array<i32>} : memref<128x128xf32, #tpu.memory_space<vmem>>, vector<1x16xf32>,
        %parallel_loop3A_290 = arith.index_cast %parallel_loop3A_205 : i32 to index
        %parallel_loop3A_291 = arith.constant 112 : index
        %parallel_loop3A_292 = tpu.vector_load %arg6[%parallel_loop3A_290, %parallel_loop3A_291] {strides = array<i32>} : memref<128x128xf32, #tpu.memory_space<vmem>>, vector<1x16xf32>,
        %parallel_loop3A_293 = vector.shape_cast %parallel_loop3A_292 : vector<1x16xf32> to vector<16xf32>
        %parallel_loop3A_294 = arith.constant 11.3137083 : f32
        %parallel_loop3A_295 = vector.broadcast %parallel_loop3A_294 : f32 to vector<16xf32>
        %parallel_loop3A_296 = arith.mulf %parallel_loop3A_293, %parallel_loop3A_295 : vector<16xf32>
        %parallel_loop3A_297 = arith.index_cast %parallel_loop3A_205 : i32 to index
        %parallel_loop3A_298 = arith.constant 112 : index
        %parallel_loop3A_299 = tpu.vector_load %arg6[%parallel_loop3A_297, %parallel_loop3A_298] {strides = array<i32>} : memref<128x128xf32, #tpu.memory_space<vmem>>, vector<1x16xf32>,
        %parallel_loop3A_300 = vector.shape_cast %parallel_loop3A_299 : vector<1x16xf32> to vector<16xf32>
        %parallel_loop3A_301 = vector.shape_cast %parallel_loop3A_296 : vector<16xf32> to vector<1x16xf32>
        tpu.vector_store %arg6[%parallel_loop3A_297, %parallel_loop3A_298], %parallel_loop3A_301 {strides = array<i32>} : memref<128x128xf32, #tpu.memory_space<vmem>>, vector<1x16xf32>,
      } {sc.loop_unroll_factor = 4 : i64, sc.parallel_access}
      %ge3A = arith.constant 1 : i32
      %ge3A_53 = arith.cmpi sge, %add3A_44, %ge3A : i32
      %convert_element_type3A = arith.extui %ge3A_53 : i1 to i32
      %cond3A = arith.constant 0 : i32
      %cond3A_54 = arith.cmpi ne, %convert_element_type3A, %cond3A : i32
      scf.if %cond3A_54 {
        %sub3A_205 = arith.constant 1 : i32
        %sub3A_206 = arith.subi %add3A_44, %sub3A_205 : i32
        %mul3A_207 = arith.constant 128 : i32
        %mul3A_208 = arith.muli %sub3A_206, %mul3A_207 : i32
        %add3A_209 = arith.addi %mul3A_2, %mul3A_208 : i32
        %dma_wait3A_210 = arith.constant 0 : i32
        %dma_wait3A_211 = tpu.memref_slice %arg4[%add3A_209, %dma_wait3A_210] : memref<204800x128xf32, #tpu.memory_space<hbm>> -> memref<128x128xf32, #tpu.memory_space<hbm>>
        %dma_wait3A_212 = arith.constant 0 : i32
        %dma_wait3A_213 = tpu.memref_slice %arg4[%add3A_209, %dma_wait3A_212] : memref<204800x128xf32, #tpu.memory_space<hbm>> -> memref<128x128xf32, #tpu.memory_space<hbm>>
        tpu.wait_dma2 semaphore(%arg12 : memref<!tpu.dma_semaphore, #tpu.memory_space<semaphore_mem>>) src(%arg10 : memref<128x128xf32, #tpu.memory_space<vmem>>) dst(%dma_wait3A_213 : memref<128x128xf32, #tpu.memory_space<hbm>>)
      } else {
      }
      %mul3A_55 = arith.constant 128 : i32
      %mul3A_56 = arith.muli %add3A_44, %mul3A_55 : i32
      %add3A_57 = arith.addi %mul3A_2, %mul3A_56 : i32
      %dma_start3A_58 = arith.constant 0 : i32
      %dma_start3A_59 = tpu.memref_slice %arg4[%add3A_57, %dma_start3A_58] : memref<204800x128xf32, #tpu.memory_space<hbm>> -> memref<128x128xf32, #tpu.memory_space<hbm>>
      %dma_start3A_60 = arith.constant 0 : i32
      %dma_start3A_61 = tpu.memref_slice %arg4[%add3A_57, %dma_start3A_60] : memref<204800x128xf32, #tpu.memory_space<hbm>> -> memref<128x128xf32, #tpu.memory_space<hbm>>
      tpu.enqueue_dma source(%arg6 : memref<128x128xf32, #tpu.memory_space<vmem>>) target(%dma_start3A_61 : memref<128x128xf32, #tpu.memory_space<hbm>>) target_semaphore(%arg12 : memref<!tpu.dma_semaphore, #tpu.memory_space<semaphore_mem>>)
      %add3A_62 = arith.constant 5 : i32
      %add3A_63 = arith.addi %add3A_44, %add3A_62 : i32
      %sub3A = arith.constant 1 : i32
      %sub3A_64 = arith.subi %add3A_63, %sub3A : i32
      %lt3A = arith.constant 50 : i32
      %lt3A_65 = arith.cmpi slt, %sub3A_64, %lt3A : i32
      %convert_element_type3A_66 = arith.extui %lt3A_65 : i1 to i32
      %cond3A_67 = arith.constant 0 : i32
      %cond3A_68 = arith.cmpi ne, %convert_element_type3A_66, %cond3A_67 : i32
      scf.if %cond3A_68 {
        %add3A_205 = arith.constant 5 : i32
        %add3A_206 = arith.addi %add3A_44, %add3A_205 : i32
        %sub3A_207 = arith.constant 1 : i32
        %sub3A_208 = arith.subi %add3A_206, %sub3A_207 : i32
        %dma_start3A_209 = arith.constant 0 : i32
        %dma_start3A_210 = tpu.memref_slice %arg5[%sub3A_208, %dma_start3A_209] : memref<50x128xi32, #tpu.memory_space<vmem>> -> memref<1x128xi32, #tpu.memory_space<vmem>>
        %dma_start3A_211 = tpu.memref_squeeze %dma_start3A_210 : memref<1x128xi32, #tpu.memory_space<vmem>> -> memref<128xi32, #tpu.memory_space<vmem>>
        %dma_start3A_212 = arith.constant 0 : i32
        %dma_start3A_213 = arith.constant 0 : i32
        %dma_start3A_214 = tpu.memref_slice %arg2[%dma_start3A_212, %dma_start3A_213] : memref<100000x128xf32, #tpu.memory_space<hbm>> -> memref<100000x128xf32, #tpu.memory_space<hbm>>
        tpu.enqueue_indirect_dma source(%dma_start3A_214 : memref<100000x128xf32, #tpu.memory_space<hbm>>) target(%arg10 : memref<128x128xf32, #tpu.memory_space<vmem>>) offsets(%dma_start3A_211 : memref<128xi32, #tpu.memory_space<vmem>>) semaphore(%arg11 : memref<!tpu.dma_semaphore, #tpu.memory_space<semaphore_mem>>)
      } else {
      }
      %mul3A_69 = arith.constant 5 : i32
      %mul3A_70 = arith.muli %scan3A_40, %mul3A_69 : i32
      %add3A_71 = arith.constant 1 : i32
      %add3A_72 = arith.addi %mul3A_70, %add3A_71 : i32
      %dma_wait3A_73 = arith.constant 0 : i32
      %dma_wait3A_74 = tpu.memref_slice %arg5[%add3A_72, %dma_wait3A_73] : memref<50x128xi32, #tpu.memory_space<vmem>> -> memref<1x128xi32, #tpu.memory_space<vmem>>
      %dma_wait3A_75 = tpu.memref_squeeze %dma_wait3A_74 : memref<1x128xi32, #tpu.memory_space<vmem>> -> memref<128xi32, #tpu.memory_space<vmem>>
      %dma_wait3A_76 = arith.constant 0 : i32
      %dma_wait3A_77 = arith.constant 0 : i32
      %dma_wait3A_78 = tpu.memref_slice %arg2[%dma_wait3A_76, %dma_wait3A_77] : memref<100000x128xf32, #tpu.memory_space<hbm>> -> memref<100000x128xf32, #tpu.memory_space<hbm>>
      tpu.wait_indirect_dma semaphore(%arg11 : memref<!tpu.dma_semaphore, #tpu.memory_space<semaphore_mem>>) src(%dma_wait3A_78 : memref<100000x128xf32, #tpu.memory_space<hbm>>) dst(%arg7 : memref<128x128xf32, #tpu.memory_space<vmem>>)
      %parallel_loop3A_79 = arith.constant 0 : i32
      %parallel_loop3A_80 = arith.constant 128 : i32
      %parallel_loop3A_81 = arith.constant 1 : i32
      scf.for %parallel_loop3A_205 = %parallel_loop3A_79 to %parallel_loop3A_80 step %parallel_loop3A_81  : i32 {
        %parallel_loop3A_206 = arith.index_cast %parallel_loop3A_205 : i32 to index
        %parallel_loop3A_207 = arith.constant 0 : index
        %parallel_loop3A_208 = tpu.vector_load %arg7[%parallel_loop3A_206, %parallel_loop3A_207] {strides = array<i32>} : memref<128x128xf32, #tpu.memory_space<vmem>>, vector<1x16xf32>,
        %parallel_loop3A_209 = vector.shape_cast %parallel_loop3A_208 : vector<1x16xf32> to vector<16xf32>
        %parallel_loop3A_210 = arith.constant 11.3137083 : f32
        %parallel_loop3A_211 = vector.broadcast %parallel_loop3A_210 : f32 to vector<16xf32>
        %parallel_loop3A_212 = arith.mulf %parallel_loop3A_209, %parallel_loop3A_211 : vector<16xf32>
        %parallel_loop3A_213 = arith.index_cast %parallel_loop3A_205 : i32 to index
        %parallel_loop3A_214 = arith.constant 0 : index
        %parallel_loop3A_215 = tpu.vector_load %arg7[%parallel_loop3A_213, %parallel_loop3A_214] {strides = array<i32>} : memref<128x128xf32, #tpu.memory_space<vmem>>, vector<1x16xf32>,
        %parallel_loop3A_216 = vector.shape_cast %parallel_loop3A_215 : vector<1x16xf32> to vector<16xf32>
        %parallel_loop3A_217 = vector.shape_cast %parallel_loop3A_212 : vector<16xf32> to vector<1x16xf32>
        tpu.vector_store %arg7[%parallel_loop3A_213, %parallel_loop3A_214], %parallel_loop3A_217 {strides = array<i32>} : memref<128x128xf32, #tpu.memory_space<vmem>>, vector<1x16xf32>,
        %parallel_loop3A_218 = arith.index_cast %parallel_loop3A_205 : i32 to index
        %parallel_loop3A_219 = arith.constant 16 : index
        %parallel_loop3A_220 = tpu.vector_load %arg7[%parallel_loop3A_218, %parallel_loop3A_219] {strides = array<i32>} : memref<128x128xf32, #tpu.memory_space<vmem>>, vector<1x16xf32>,
        %parallel_loop3A_221 = vector.shape_cast %parallel_loop3A_220 : vector<1x16xf32> to vector<16xf32>
        %parallel_loop3A_222 = arith.constant 11.3137083 : f32
        %parallel_loop3A_223 = vector.broadcast %parallel_loop3A_222 : f32 to vector<16xf32>
        %parallel_loop3A_224 = arith.mulf %parallel_loop3A_221, %parallel_loop3A_223 : vector<16xf32>
        %parallel_loop3A_225 = arith.index_cast %parallel_loop3A_205 : i32 to index
        %parallel_loop3A_226 = arith.constant 16 : index
        %parallel_loop3A_227 = tpu.vector_load %arg7[%parallel_loop3A_225, %parallel_loop3A_226] {strides = array<i32>} : memref<128x128xf32, #tpu.memory_space<vmem>>, vector<1x16xf32>,
        %parallel_loop3A_228 = vector.shape_cast %parallel_loop3A_227 : vector<1x16xf32> to vector<16xf32>
        %parallel_loop3A_229 = vector.shape_cast %parallel_loop3A_224 : vector<16xf32> to vector<1x16xf32>
        tpu.vector_store %arg7[%parallel_loop3A_225, %parallel_loop3A_226], %parallel_loop3A_229 {strides = array<i32>} : memref<128x128xf32, #tpu.memory_space<vmem>>, vector<1x16xf32>,
        %parallel_loop3A_230 = arith.index_cast %parallel_loop3A_205 : i32 to index
        %parallel_loop3A_231 = arith.constant 32 : index
        %parallel_loop3A_232 = tpu.vector_load %arg7[%parallel_loop3A_230, %parallel_loop3A_231] {strides = array<i32>} : memref<128x128xf32, #tpu.memory_space<vmem>>, vector<1x16xf32>,
        %parallel_loop3A_233 = vector.shape_cast %parallel_loop3A_232 : vector<1x16xf32> to vector<16xf32>
        %parallel_loop3A_234 = arith.constant 11.3137083 : f32
        %parallel_loop3A_235 = vector.broadcast %parallel_loop3A_234 : f32 to vector<16xf32>
        %parallel_loop3A_236 = arith.mulf %parallel_loop3A_233, %parallel_loop3A_235 : vector<16xf32>
        %parallel_loop3A_237 = arith.index_cast %parallel_loop3A_205 : i32 to index
        %parallel_loop3A_238 = arith.constant 32 : index
        %parallel_loop3A_239 = tpu.vector_load %arg7[%parallel_loop3A_237, %parallel_loop3A_238] {strides = array<i32>} : memref<128x128xf32, #tpu.memory_space<vmem>>, vector<1x16xf32>,
        %parallel_loop3A_240 = vector.shape_cast %parallel_loop3A_239 : vector<1x16xf32> to vector<16xf32>
        %parallel_loop3A_241 = vector.shape_cast %parallel_loop3A_236 : vector<16xf32> to vector<1x16xf32>
        tpu.vector_store %arg7[%parallel_loop3A_237, %parallel_loop3A_238], %parallel_loop3A_241 {strides = array<i32>} : memref<128x128xf32, #tpu.memory_space<vmem>>, vector<1x16xf32>,
        %parallel_loop3A_242 = arith.index_cast %parallel_loop3A_205 : i32 to index
        %parallel_loop3A_243 = arith.constant 48 : index
        %parallel_loop3A_244 = tpu.vector_load %arg7[%parallel_loop3A_242, %parallel_loop3A_243] {strides = array<i32>} : memref<128x128xf32, #tpu.memory_space<vmem>>, vector<1x16xf32>,
        %parallel_loop3A_245 = vector.shape_cast %parallel_loop3A_244 : vector<1x16xf32> to vector<16xf32>
        %parallel_loop3A_246 = arith.constant 11.3137083 : f32
        %parallel_loop3A_247 = vector.broadcast %parallel_loop3A_246 : f32 to vector<16xf32>
        %parallel_loop3A_248 = arith.mulf %parallel_loop3A_245, %parallel_loop3A_247 : vector<16xf32>
        %parallel_loop3A_249 = arith.index_cast %parallel_loop3A_205 : i32 to index
        %parallel_loop3A_250 = arith.constant 48 : index
        %parallel_loop3A_251 = tpu.vector_load %arg7[%parallel_loop3A_249, %parallel_loop3A_250] {strides = array<i32>} : memref<128x128xf32, #tpu.memory_space<vmem>>, vector<1x16xf32>,
        %parallel_loop3A_252 = vector.shape_cast %parallel_loop3A_251 : vector<1x16xf32> to vector<16xf32>
        %parallel_loop3A_253 = vector.shape_cast %parallel_loop3A_248 : vector<16xf32> to vector<1x16xf32>
        tpu.vector_store %arg7[%parallel_loop3A_249, %parallel_loop3A_250], %parallel_loop3A_253 {strides = array<i32>} : memref<128x128xf32, #tpu.memory_space<vmem>>, vector<1x16xf32>,
        %parallel_loop3A_254 = arith.index_cast %parallel_loop3A_205 : i32 to index
        %parallel_loop3A_255 = arith.constant 64 : index
        %parallel_loop3A_256 = tpu.vector_load %arg7[%parallel_loop3A_254, %parallel_loop3A_255] {strides = array<i32>} : memref<128x128xf32, #tpu.memory_space<vmem>>, vector<1x16xf32>,
        %parallel_loop3A_257 = vector.shape_cast %parallel_loop3A_256 : vector<1x16xf32> to vector<16xf32>
        %parallel_loop3A_258 = arith.constant 11.3137083 : f32
        %parallel_loop3A_259 = vector.broadcast %parallel_loop3A_258 : f32 to vector<16xf32>
        %parallel_loop3A_260 = arith.mulf %parallel_loop3A_257, %parallel_loop3A_259 : vector<16xf32>
        %parallel_loop3A_261 = arith.index_cast %parallel_loop3A_205 : i32 to index
        %parallel_loop3A_262 = arith.constant 64 : index
        %parallel_loop3A_263 = tpu.vector_load %arg7[%parallel_loop3A_261, %parallel_loop3A_262] {strides = array<i32>} : memref<128x128xf32, #tpu.memory_space<vmem>>, vector<1x16xf32>,
        %parallel_loop3A_264 = vector.shape_cast %parallel_loop3A_263 : vector<1x16xf32> to vector<16xf32>
        %parallel_loop3A_265 = vector.shape_cast %parallel_loop3A_260 : vector<16xf32> to vector<1x16xf32>
        tpu.vector_store %arg7[%parallel_loop3A_261, %parallel_loop3A_262], %parallel_loop3A_265 {strides = array<i32>} : memref<128x128xf32, #tpu.memory_space<vmem>>, vector<1x16xf32>,
        %parallel_loop3A_266 = arith.index_cast %parallel_loop3A_205 : i32 to index
        %parallel_loop3A_267 = arith.constant 80 : index
        %parallel_loop3A_268 = tpu.vector_load %arg7[%parallel_loop3A_266, %parallel_loop3A_267] {strides = array<i32>} : memref<128x128xf32, #tpu.memory_space<vmem>>, vector<1x16xf32>,
        %parallel_loop3A_269 = vector.shape_cast %parallel_loop3A_268 : vector<1x16xf32> to vector<16xf32>
        %parallel_loop3A_270 = arith.constant 11.3137083 : f32
        %parallel_loop3A_271 = vector.broadcast %parallel_loop3A_270 : f32 to vector<16xf32>
        %parallel_loop3A_272 = arith.mulf %parallel_loop3A_269, %parallel_loop3A_271 : vector<16xf32>
        %parallel_loop3A_273 = arith.index_cast %parallel_loop3A_205 : i32 to index
        %parallel_loop3A_274 = arith.constant 80 : index
        %parallel_loop3A_275 = tpu.vector_load %arg7[%parallel_loop3A_273, %parallel_loop3A_274] {strides = array<i32>} : memref<128x128xf32, #tpu.memory_space<vmem>>, vector<1x16xf32>,
        %parallel_loop3A_276 = vector.shape_cast %parallel_loop3A_275 : vector<1x16xf32> to vector<16xf32>
        %parallel_loop3A_277 = vector.shape_cast %parallel_loop3A_272 : vector<16xf32> to vector<1x16xf32>
        tpu.vector_store %arg7[%parallel_loop3A_273, %parallel_loop3A_274], %parallel_loop3A_277 {strides = array<i32>} : memref<128x128xf32, #tpu.memory_space<vmem>>, vector<1x16xf32>,
        %parallel_loop3A_278 = arith.index_cast %parallel_loop3A_205 : i32 to index
        %parallel_loop3A_279 = arith.constant 96 : index
        %parallel_loop3A_280 = tpu.vector_load %arg7[%parallel_loop3A_278, %parallel_loop3A_279] {strides = array<i32>} : memref<128x128xf32, #tpu.memory_space<vmem>>, vector<1x16xf32>,
        %parallel_loop3A_281 = vector.shape_cast %parallel_loop3A_280 : vector<1x16xf32> to vector<16xf32>
        %parallel_loop3A_282 = arith.constant 11.3137083 : f32
        %parallel_loop3A_283 = vector.broadcast %parallel_loop3A_282 : f32 to vector<16xf32>
        %parallel_loop3A_284 = arith.mulf %parallel_loop3A_281, %parallel_loop3A_283 : vector<16xf32>
        %parallel_loop3A_285 = arith.index_cast %parallel_loop3A_205 : i32 to index
        %parallel_loop3A_286 = arith.constant 96 : index
        %parallel_loop3A_287 = tpu.vector_load %arg7[%parallel_loop3A_285, %parallel_loop3A_286] {strides = array<i32>} : memref<128x128xf32, #tpu.memory_space<vmem>>, vector<1x16xf32>,
        %parallel_loop3A_288 = vector.shape_cast %parallel_loop3A_287 : vector<1x16xf32> to vector<16xf32>
        %parallel_loop3A_289 = vector.shape_cast %parallel_loop3A_284 : vector<16xf32> to vector<1x16xf32>
        tpu.vector_store %arg7[%parallel_loop3A_285, %parallel_loop3A_286], %parallel_loop3A_289 {strides = array<i32>} : memref<128x128xf32, #tpu.memory_space<vmem>>, vector<1x16xf32>,
        %parallel_loop3A_290 = arith.index_cast %parallel_loop3A_205 : i32 to index
        %parallel_loop3A_291 = arith.constant 112 : index
        %parallel_loop3A_292 = tpu.vector_load %arg7[%parallel_loop3A_290, %parallel_loop3A_291] {strides = array<i32>} : memref<128x128xf32, #tpu.memory_space<vmem>>, vector<1x16xf32>,
        %parallel_loop3A_293 = vector.shape_cast %parallel_loop3A_292 : vector<1x16xf32> to vector<16xf32>
        %parallel_loop3A_294 = arith.constant 11.3137083 : f32
        %parallel_loop3A_295 = vector.broadcast %parallel_loop3A_294 : f32 to vector<16xf32>
        %parallel_loop3A_296 = arith.mulf %parallel_loop3A_293, %parallel_loop3A_295 : vector<16xf32>
        %parallel_loop3A_297 = arith.index_cast %parallel_loop3A_205 : i32 to index
        %parallel_loop3A_298 = arith.constant 112 : index
        %parallel_loop3A_299 = tpu.vector_load %arg7[%parallel_loop3A_297, %parallel_loop3A_298] {strides = array<i32>} : memref<128x128xf32, #tpu.memory_space<vmem>>, vector<1x16xf32>,
        %parallel_loop3A_300 = vector.shape_cast %parallel_loop3A_299 : vector<1x16xf32> to vector<16xf32>
        %parallel_loop3A_301 = vector.shape_cast %parallel_loop3A_296 : vector<16xf32> to vector<1x16xf32>
        tpu.vector_store %arg7[%parallel_loop3A_297, %parallel_loop3A_298], %parallel_loop3A_301 {strides = array<i32>} : memref<128x128xf32, #tpu.memory_space<vmem>>, vector<1x16xf32>,
      } {sc.loop_unroll_factor = 4 : i64, sc.parallel_access}
      %ge3A_82 = arith.constant 1 : i32
      %ge3A_83 = arith.cmpi sge, %add3A_72, %ge3A_82 : i32
      %convert_element_type3A_84 = arith.extui %ge3A_83 : i1 to i32
      %cond3A_85 = arith.constant 0 : i32
      %cond3A_86 = arith.cmpi ne, %convert_element_type3A_84, %cond3A_85 : i32
      scf.if %cond3A_86 {
        %sub3A_205 = arith.constant 1 : i32
        %sub3A_206 = arith.subi %add3A_72, %sub3A_205 : i32
        %mul3A_207 = arith.constant 128 : i32
        %mul3A_208 = arith.muli %sub3A_206, %mul3A_207 : i32
        %add3A_209 = arith.addi %mul3A_2, %mul3A_208 : i32
        %dma_wait3A_210 = arith.constant 0 : i32
        %dma_wait3A_211 = tpu.memref_slice %arg4[%add3A_209, %dma_wait3A_210] : memref<204800x128xf32, #tpu.memory_space<hbm>> -> memref<128x128xf32, #tpu.memory_space<hbm>>
        %dma_wait3A_212 = arith.constant 0 : i32
        %dma_wait3A_213 = tpu.memref_slice %arg4[%add3A_209, %dma_wait3A_212] : memref<204800x128xf32, #tpu.memory_space<hbm>> -> memref<128x128xf32, #tpu.memory_space<hbm>>
        tpu.wait_dma2 semaphore(%arg12 : memref<!tpu.dma_semaphore, #tpu.memory_space<semaphore_mem>>) src(%arg6 : memref<128x128xf32, #tpu.memory_space<vmem>>) dst(%dma_wait3A_213 : memref<128x128xf32, #tpu.memory_space<hbm>>)
      } else {
      }
      %mul3A_87 = arith.constant 128 : i32
      %mul3A_88 = arith.muli %add3A_72, %mul3A_87 : i32
      %add3A_89 = arith.addi %mul3A_2, %mul3A_88 : i32
      %dma_start3A_90 = arith.constant 0 : i32
      %dma_start3A_91 = tpu.memref_slice %arg4[%add3A_89, %dma_start3A_90] : memref<204800x128xf32, #tpu.memory_space<hbm>> -> memref<128x128xf32, #tpu.memory_space<hbm>>
      %dma_start3A_92 = arith.constant 0 : i32
      %dma_start3A_93 = tpu.memref_slice %arg4[%add3A_89, %dma_start3A_92] : memref<204800x128xf32, #tpu.memory_space<hbm>> -> memref<128x128xf32, #tpu.memory_space<hbm>>
      tpu.enqueue_dma source(%arg7 : memref<128x128xf32, #tpu.memory_space<vmem>>) target(%dma_start3A_93 : memref<128x128xf32, #tpu.memory_space<hbm>>) target_semaphore(%arg12 : memref<!tpu.dma_semaphore, #tpu.memory_space<semaphore_mem>>)
      %add3A_94 = arith.constant 5 : i32
      %add3A_95 = arith.addi %add3A_72, %add3A_94 : i32
      %sub3A_96 = arith.constant 1 : i32
      %sub3A_97 = arith.subi %add3A_95, %sub3A_96 : i32
      %lt3A_98 = arith.constant 50 : i32
      %lt3A_99 = arith.cmpi slt, %sub3A_97, %lt3A_98 : i32
      %convert_element_type3A_100 = arith.extui %lt3A_99 : i1 to i32
      %cond3A_101 = arith.constant 0 : i32
      %cond3A_102 = arith.cmpi ne, %convert_element_type3A_100, %cond3A_101 : i32
      scf.if %cond3A_102 {
        %add3A_205 = arith.constant 5 : i32
        %add3A_206 = arith.addi %add3A_72, %add3A_205 : i32
        %sub3A_207 = arith.constant 1 : i32
        %sub3A_208 = arith.subi %add3A_206, %sub3A_207 : i32
        %dma_start3A_209 = arith.constant 0 : i32
        %dma_start3A_210 = tpu.memref_slice %arg5[%sub3A_208, %dma_start3A_209] : memref<50x128xi32, #tpu.memory_space<vmem>> -> memref<1x128xi32, #tpu.memory_space<vmem>>
        %dma_start3A_211 = tpu.memref_squeeze %dma_start3A_210 : memref<1x128xi32, #tpu.memory_space<vmem>> -> memref<128xi32, #tpu.memory_space<vmem>>
        %dma_start3A_212 = arith.constant 0 : i32
        %dma_start3A_213 = arith.constant 0 : i32
        %dma_start3A_214 = tpu.memref_slice %arg2[%dma_start3A_212, %dma_start3A_213] : memref<100000x128xf32, #tpu.memory_space<hbm>> -> memref<100000x128xf32, #tpu.memory_space<hbm>>
        tpu.enqueue_indirect_dma source(%dma_start3A_214 : memref<100000x128xf32, #tpu.memory_space<hbm>>) target(%arg6 : memref<128x128xf32, #tpu.memory_space<vmem>>) offsets(%dma_start3A_211 : memref<128xi32, #tpu.memory_space<vmem>>) semaphore(%arg11 : memref<!tpu.dma_semaphore, #tpu.memory_space<semaphore_mem>>)
      } else {
      }
      %mul3A_103 = arith.constant 5 : i32
      %mul3A_104 = arith.muli %scan3A_40, %mul3A_103 : i32
      %add3A_105 = arith.constant 2 : i32
      %add3A_106 = arith.addi %mul3A_104, %add3A_105 : i32
      %dma_wait3A_107 = arith.constant 0 : i32
      %dma_wait3A_108 = tpu.memref_slice %arg5[%add3A_106, %dma_wait3A_107] : memref<50x128xi32, #tpu.memory_space<vmem>> -> memref<1x128xi32, #tpu.memory_space<vmem>>
      %dma_wait3A_109 = tpu.memref_squeeze %dma_wait3A_108 : memref<1x128xi32, #tpu.memory_space<vmem>> -> memref<128xi32, #tpu.memory_space<vmem>>
      %dma_wait3A_110 = arith.constant 0 : i32
      %dma_wait3A_111 = arith.constant 0 : i32
      %dma_wait3A_112 = tpu.memref_slice %arg2[%dma_wait3A_110, %dma_wait3A_111] : memref<100000x128xf32, #tpu.memory_space<hbm>> -> memref<100000x128xf32, #tpu.memory_space<hbm>>
      tpu.wait_indirect_dma semaphore(%arg11 : memref<!tpu.dma_semaphore, #tpu.memory_space<semaphore_mem>>) src(%dma_wait3A_112 : memref<100000x128xf32, #tpu.memory_space<hbm>>) dst(%arg8 : memref<128x128xf32, #tpu.memory_space<vmem>>)
      %parallel_loop3A_113 = arith.constant 0 : i32
      %parallel_loop3A_114 = arith.constant 128 : i32
      %parallel_loop3A_115 = arith.constant 1 : i32
      scf.for %parallel_loop3A_205 = %parallel_loop3A_113 to %parallel_loop3A_114 step %parallel_loop3A_115  : i32 {
        %parallel_loop3A_206 = arith.index_cast %parallel_loop3A_205 : i32 to index
        %parallel_loop3A_207 = arith.constant 0 : index
        %parallel_loop3A_208 = tpu.vector_load %arg8[%parallel_loop3A_206, %parallel_loop3A_207] {strides = array<i32>} : memref<128x128xf32, #tpu.memory_space<vmem>>, vector<1x16xf32>,
        %parallel_loop3A_209 = vector.shape_cast %parallel_loop3A_208 : vector<1x16xf32> to vector<16xf32>
        %parallel_loop3A_210 = arith.constant 11.3137083 : f32
        %parallel_loop3A_211 = vector.broadcast %parallel_loop3A_210 : f32 to vector<16xf32>
        %parallel_loop3A_212 = arith.mulf %parallel_loop3A_209, %parallel_loop3A_211 : vector<16xf32>
        %parallel_loop3A_213 = arith.index_cast %parallel_loop3A_205 : i32 to index
        %parallel_loop3A_214 = arith.constant 0 : index
        %parallel_loop3A_215 = tpu.vector_load %arg8[%parallel_loop3A_213, %parallel_loop3A_214] {strides = array<i32>} : memref<128x128xf32, #tpu.memory_space<vmem>>, vector<1x16xf32>,
        %parallel_loop3A_216 = vector.shape_cast %parallel_loop3A_215 : vector<1x16xf32> to vector<16xf32>
        %parallel_loop3A_217 = vector.shape_cast %parallel_loop3A_212 : vector<16xf32> to vector<1x16xf32>
        tpu.vector_store %arg8[%parallel_loop3A_213, %parallel_loop3A_214], %parallel_loop3A_217 {strides = array<i32>} : memref<128x128xf32, #tpu.memory_space<vmem>>, vector<1x16xf32>,
        %parallel_loop3A_218 = arith.index_cast %parallel_loop3A_205 : i32 to index
        %parallel_loop3A_219 = arith.constant 16 : index
        %parallel_loop3A_220 = tpu.vector_load %arg8[%parallel_loop3A_218, %parallel_loop3A_219] {strides = array<i32>} : memref<128x128xf32, #tpu.memory_space<vmem>>, vector<1x16xf32>,
        %parallel_loop3A_221 = vector.shape_cast %parallel_loop3A_220 : vector<1x16xf32> to vector<16xf32>
        %parallel_loop3A_222 = arith.constant 11.3137083 : f32
        %parallel_loop3A_223 = vector.broadcast %parallel_loop3A_222 : f32 to vector<16xf32>
        %parallel_loop3A_224 = arith.mulf %parallel_loop3A_221, %parallel_loop3A_223 : vector<16xf32>
        %parallel_loop3A_225 = arith.index_cast %parallel_loop3A_205 : i32 to index
        %parallel_loop3A_226 = arith.constant 16 : index
        %parallel_loop3A_227 = tpu.vector_load %arg8[%parallel_loop3A_225, %parallel_loop3A_226] {strides = array<i32>} : memref<128x128xf32, #tpu.memory_space<vmem>>, vector<1x16xf32>,
        %parallel_loop3A_228 = vector.shape_cast %parallel_loop3A_227 : vector<1x16xf32> to vector<16xf32>
        %parallel_loop3A_229 = vector.shape_cast %parallel_loop3A_224 : vector<16xf32> to vector<1x16xf32>
        tpu.vector_store %arg8[%parallel_loop3A_225, %parallel_loop3A_226], %parallel_loop3A_229 {strides = array<i32>} : memref<128x128xf32, #tpu.memory_space<vmem>>, vector<1x16xf32>,
        %parallel_loop3A_230 = arith.index_cast %parallel_loop3A_205 : i32 to index
        %parallel_loop3A_231 = arith.constant 32 : index
        %parallel_loop3A_232 = tpu.vector_load %arg8[%parallel_loop3A_230, %parallel_loop3A_231] {strides = array<i32>} : memref<128x128xf32, #tpu.memory_space<vmem>>, vector<1x16xf32>,
        %parallel_loop3A_233 = vector.shape_cast %parallel_loop3A_232 : vector<1x16xf32> to vector<16xf32>
        %parallel_loop3A_234 = arith.constant 11.3137083 : f32
        %parallel_loop3A_235 = vector.broadcast %parallel_loop3A_234 : f32 to vector<16xf32>
        %parallel_loop3A_236 = arith.mulf %parallel_loop3A_233, %parallel_loop3A_235 : vector<16xf32>
        %parallel_loop3A_237 = arith.index_cast %parallel_loop3A_205 : i32 to index
        %parallel_loop3A_238 = arith.constant 32 : index
        %parallel_loop3A_239 = tpu.vector_load %arg8[%parallel_loop3A_237, %parallel_loop3A_238] {strides = array<i32>} : memref<128x128xf32, #tpu.memory_space<vmem>>, vector<1x16xf32>,
        %parallel_loop3A_240 = vector.shape_cast %parallel_loop3A_239 : vector<1x16xf32> to vector<16xf32>
        %parallel_loop3A_241 = vector.shape_cast %parallel_loop3A_236 : vector<16xf32> to vector<1x16xf32>
        tpu.vector_store %arg8[%parallel_loop3A_237, %parallel_loop3A_238], %parallel_loop3A_241 {strides = array<i32>} : memref<128x128xf32, #tpu.memory_space<vmem>>, vector<1x16xf32>,
        %parallel_loop3A_242 = arith.index_cast %parallel_loop3A_205 : i32 to index
        %parallel_loop3A_243 = arith.constant 48 : index
        %parallel_loop3A_244 = tpu.vector_load %arg8[%parallel_loop3A_242, %parallel_loop3A_243] {strides = array<i32>} : memref<128x128xf32, #tpu.memory_space<vmem>>, vector<1x16xf32>,
        %parallel_loop3A_245 = vector.shape_cast %parallel_loop3A_244 : vector<1x16xf32> to vector<16xf32>
        %parallel_loop3A_246 = arith.constant 11.3137083 : f32
        %parallel_loop3A_247 = vector.broadcast %parallel_loop3A_246 : f32 to vector<16xf32>
        %parallel_loop3A_248 = arith.mulf %parallel_loop3A_245, %parallel_loop3A_247 : vector<16xf32>
        %parallel_loop3A_249 = arith.index_cast %parallel_loop3A_205 : i32 to index
        %parallel_loop3A_250 = arith.constant 48 : index
        %parallel_loop3A_251 = tpu.vector_load %arg8[%parallel_loop3A_249, %parallel_loop3A_250] {strides = array<i32>} : memref<128x128xf32, #tpu.memory_space<vmem>>, vector<1x16xf32>,
        %parallel_loop3A_252 = vector.shape_cast %parallel_loop3A_251 : vector<1x16xf32> to vector<16xf32>
        %parallel_loop3A_253 = vector.shape_cast %parallel_loop3A_248 : vector<16xf32> to vector<1x16xf32>
        tpu.vector_store %arg8[%parallel_loop3A_249, %parallel_loop3A_250], %parallel_loop3A_253 {strides = array<i32>} : memref<128x128xf32, #tpu.memory_space<vmem>>, vector<1x16xf32>,
        %parallel_loop3A_254 = arith.index_cast %parallel_loop3A_205 : i32 to index
        %parallel_loop3A_255 = arith.constant 64 : index
        %parallel_loop3A_256 = tpu.vector_load %arg8[%parallel_loop3A_254, %parallel_loop3A_255] {strides = array<i32>} : memref<128x128xf32, #tpu.memory_space<vmem>>, vector<1x16xf32>,
        %parallel_loop3A_257 = vector.shape_cast %parallel_loop3A_256 : vector<1x16xf32> to vector<16xf32>
        %parallel_loop3A_258 = arith.constant 11.3137083 : f32
        %parallel_loop3A_259 = vector.broadcast %parallel_loop3A_258 : f32 to vector<16xf32>
        %parallel_loop3A_260 = arith.mulf %parallel_loop3A_257, %parallel_loop3A_259 : vector<16xf32>
        %parallel_loop3A_261 = arith.index_cast %parallel_loop3A_205 : i32 to index
        %parallel_loop3A_262 = arith.constant 64 : index
        %parallel_loop3A_263 = tpu.vector_load %arg8[%parallel_loop3A_261, %parallel_loop3A_262] {strides = array<i32>} : memref<128x128xf32, #tpu.memory_space<vmem>>, vector<1x16xf32>,
        %parallel_loop3A_264 = vector.shape_cast %parallel_loop3A_263 : vector<1x16xf32> to vector<16xf32>
        %parallel_loop3A_265 = vector.shape_cast %parallel_loop3A_260 : vector<16xf32> to vector<1x16xf32>
        tpu.vector_store %arg8[%parallel_loop3A_261, %parallel_loop3A_262], %parallel_loop3A_265 {strides = array<i32>} : memref<128x128xf32, #tpu.memory_space<vmem>>, vector<1x16xf32>,
        %parallel_loop3A_266 = arith.index_cast %parallel_loop3A_205 : i32 to index
        %parallel_loop3A_267 = arith.constant 80 : index
        %parallel_loop3A_268 = tpu.vector_load %arg8[%parallel_loop3A_266, %parallel_loop3A_267] {strides = array<i32>} : memref<128x128xf32, #tpu.memory_space<vmem>>, vector<1x16xf32>,
        %parallel_loop3A_269 = vector.shape_cast %parallel_loop3A_268 : vector<1x16xf32> to vector<16xf32>
        %parallel_loop3A_270 = arith.constant 11.3137083 : f32
        %parallel_loop3A_271 = vector.broadcast %parallel_loop3A_270 : f32 to vector<16xf32>
        %parallel_loop3A_272 = arith.mulf %parallel_loop3A_269, %parallel_loop3A_271 : vector<16xf32>
        %parallel_loop3A_273 = arith.index_cast %parallel_loop3A_205 : i32 to index
        %parallel_loop3A_274 = arith.constant 80 : index
        %parallel_loop3A_275 = tpu.vector_load %arg8[%parallel_loop3A_273, %parallel_loop3A_274] {strides = array<i32>} : memref<128x128xf32, #tpu.memory_space<vmem>>, vector<1x16xf32>,
        %parallel_loop3A_276 = vector.shape_cast %parallel_loop3A_275 : vector<1x16xf32> to vector<16xf32>
        %parallel_loop3A_277 = vector.shape_cast %parallel_loop3A_272 : vector<16xf32> to vector<1x16xf32>
        tpu.vector_store %arg8[%parallel_loop3A_273, %parallel_loop3A_274], %parallel_loop3A_277 {strides = array<i32>} : memref<128x128xf32, #tpu.memory_space<vmem>>, vector<1x16xf32>,
        %parallel_loop3A_278 = arith.index_cast %parallel_loop3A_205 : i32 to index
        %parallel_loop3A_279 = arith.constant 96 : index
        %parallel_loop3A_280 = tpu.vector_load %arg8[%parallel_loop3A_278, %parallel_loop3A_279] {strides = array<i32>} : memref<128x128xf32, #tpu.memory_space<vmem>>, vector<1x16xf32>,
        %parallel_loop3A_281 = vector.shape_cast %parallel_loop3A_280 : vector<1x16xf32> to vector<16xf32>
        %parallel_loop3A_282 = arith.constant 11.3137083 : f32
        %parallel_loop3A_283 = vector.broadcast %parallel_loop3A_282 : f32 to vector<16xf32>
        %parallel_loop3A_284 = arith.mulf %parallel_loop3A_281, %parallel_loop3A_283 : vector<16xf32>
        %parallel_loop3A_285 = arith.index_cast %parallel_loop3A_205 : i32 to index
        %parallel_loop3A_286 = arith.constant 96 : index
        %parallel_loop3A_287 = tpu.vector_load %arg8[%parallel_loop3A_285, %parallel_loop3A_286] {strides = array<i32>} : memref<128x128xf32, #tpu.memory_space<vmem>>, vector<1x16xf32>,
        %parallel_loop3A_288 = vector.shape_cast %parallel_loop3A_287 : vector<1x16xf32> to vector<16xf32>
        %parallel_loop3A_289 = vector.shape_cast %parallel_loop3A_284 : vector<16xf32> to vector<1x16xf32>
        tpu.vector_store %arg8[%parallel_loop3A_285, %parallel_loop3A_286], %parallel_loop3A_289 {strides = array<i32>} : memref<128x128xf32, #tpu.memory_space<vmem>>, vector<1x16xf32>,
        %parallel_loop3A_290 = arith.index_cast %parallel_loop3A_205 : i32 to index
        %parallel_loop3A_291 = arith.constant 112 : index
        %parallel_loop3A_292 = tpu.vector_load %arg8[%parallel_loop3A_290, %parallel_loop3A_291] {strides = array<i32>} : memref<128x128xf32, #tpu.memory_space<vmem>>, vector<1x16xf32>,
        %parallel_loop3A_293 = vector.shape_cast %parallel_loop3A_292 : vector<1x16xf32> to vector<16xf32>
        %parallel_loop3A_294 = arith.constant 11.3137083 : f32
        %parallel_loop3A_295 = vector.broadcast %parallel_loop3A_294 : f32 to vector<16xf32>
        %parallel_loop3A_296 = arith.mulf %parallel_loop3A_293, %parallel_loop3A_295 : vector<16xf32>
        %parallel_loop3A_297 = arith.index_cast %parallel_loop3A_205 : i32 to index
        %parallel_loop3A_298 = arith.constant 112 : index
        %parallel_loop3A_299 = tpu.vector_load %arg8[%parallel_loop3A_297, %parallel_loop3A_298] {strides = array<i32>} : memref<128x128xf32, #tpu.memory_space<vmem>>, vector<1x16xf32>,
        %parallel_loop3A_300 = vector.shape_cast %parallel_loop3A_299 : vector<1x16xf32> to vector<16xf32>
        %parallel_loop3A_301 = vector.shape_cast %parallel_loop3A_296 : vector<16xf32> to vector<1x16xf32>
        tpu.vector_store %arg8[%parallel_loop3A_297, %parallel_loop3A_298], %parallel_loop3A_301 {strides = array<i32>} : memref<128x128xf32, #tpu.memory_space<vmem>>, vector<1x16xf32>,
      } {sc.loop_unroll_factor = 4 : i64, sc.parallel_access}
      %ge3A_116 = arith.constant 1 : i32
      %ge3A_117 = arith.cmpi sge, %add3A_106, %ge3A_116 : i32
      %convert_element_type3A_118 = arith.extui %ge3A_117 : i1 to i32
      %cond3A_119 = arith.constant 0 : i32
      %cond3A_120 = arith.cmpi ne, %convert_element_type3A_118, %cond3A_119 : i32
      scf.if %cond3A_120 {
        %sub3A_205 = arith.constant 1 : i32
        %sub3A_206 = arith.subi %add3A_106, %sub3A_205 : i32
        %mul3A_207 = arith.constant 128 : i32
        %mul3A_208 = arith.muli %sub3A_206, %mul3A_207 : i32
        %add3A_209 = arith.addi %mul3A_2, %mul3A_208 : i32
        %dma_wait3A_210 = arith.constant 0 : i32
        %dma_wait3A_211 = tpu.memref_slice %arg4[%add3A_209, %dma_wait3A_210] : memref<204800x128xf32, #tpu.memory_space<hbm>> -> memref<128x128xf32, #tpu.memory_space<hbm>>
        %dma_wait3A_212 = arith.constant 0 : i32
        %dma_wait3A_213 = tpu.memref_slice %arg4[%add3A_209, %dma_wait3A_212] : memref<204800x128xf32, #tpu.memory_space<hbm>> -> memref<128x128xf32, #tpu.memory_space<hbm>>
        tpu.wait_dma2 semaphore(%arg12 : memref<!tpu.dma_semaphore, #tpu.memory_space<semaphore_mem>>) src(%arg7 : memref<128x128xf32, #tpu.memory_space<vmem>>) dst(%dma_wait3A_213 : memref<128x128xf32, #tpu.memory_space<hbm>>)
      } else {
      }
      %mul3A_121 = arith.constant 128 : i32
      %mul3A_122 = arith.muli %add3A_106, %mul3A_121 : i32
      %add3A_123 = arith.addi %mul3A_2, %mul3A_122 : i32
      %dma_start3A_124 = arith.constant 0 : i32
      %dma_start3A_125 = tpu.memref_slice %arg4[%add3A_123, %dma_start3A_124] : memref<204800x128xf32, #tpu.memory_space<hbm>> -> memref<128x128xf32, #tpu.memory_space<hbm>>
      %dma_start3A_126 = arith.constant 0 : i32
      %dma_start3A_127 = tpu.memref_slice %arg4[%add3A_123, %dma_start3A_126] : memref<204800x128xf32, #tpu.memory_space<hbm>> -> memref<128x128xf32, #tpu.memory_space<hbm>>
      tpu.enqueue_dma source(%arg8 : memref<128x128xf32, #tpu.memory_space<vmem>>) target(%dma_start3A_127 : memref<128x128xf32, #tpu.memory_space<hbm>>) target_semaphore(%arg12 : memref<!tpu.dma_semaphore, #tpu.memory_space<semaphore_mem>>)
      %add3A_128 = arith.constant 5 : i32
      %add3A_129 = arith.addi %add3A_106, %add3A_128 : i32
      %sub3A_130 = arith.constant 1 : i32
      %sub3A_131 = arith.subi %add3A_129, %sub3A_130 : i32
      %lt3A_132 = arith.constant 50 : i32
      %lt3A_133 = arith.cmpi slt, %sub3A_131, %lt3A_132 : i32
      %convert_element_type3A_134 = arith.extui %lt3A_133 : i1 to i32
      %cond3A_135 = arith.constant 0 : i32
      %cond3A_136 = arith.cmpi ne, %convert_element_type3A_134, %cond3A_135 : i32
      scf.if %cond3A_136 {
        %add3A_205 = arith.constant 5 : i32
        %add3A_206 = arith.addi %add3A_106, %add3A_205 : i32
        %sub3A_207 = arith.constant 1 : i32
        %sub3A_208 = arith.subi %add3A_206, %sub3A_207 : i32
        %dma_start3A_209 = arith.constant 0 : i32
        %dma_start3A_210 = tpu.memref_slice %arg5[%sub3A_208, %dma_start3A_209] : memref<50x128xi32, #tpu.memory_space<vmem>> -> memref<1x128xi32, #tpu.memory_space<vmem>>
        %dma_start3A_211 = tpu.memref_squeeze %dma_start3A_210 : memref<1x128xi32, #tpu.memory_space<vmem>> -> memref<128xi32, #tpu.memory_space<vmem>>
        %dma_start3A_212 = arith.constant 0 : i32
        %dma_start3A_213 = arith.constant 0 : i32
        %dma_start3A_214 = tpu.memref_slice %arg2[%dma_start3A_212, %dma_start3A_213] : memref<100000x128xf32, #tpu.memory_space<hbm>> -> memref<100000x128xf32, #tpu.memory_space<hbm>>
        tpu.enqueue_indirect_dma source(%dma_start3A_214 : memref<100000x128xf32, #tpu.memory_space<hbm>>) target(%arg7 : memref<128x128xf32, #tpu.memory_space<vmem>>) offsets(%dma_start3A_211 : memref<128xi32, #tpu.memory_space<vmem>>) semaphore(%arg11 : memref<!tpu.dma_semaphore, #tpu.memory_space<semaphore_mem>>)
      } else {
      }
      %mul3A_137 = arith.constant 5 : i32
      %mul3A_138 = arith.muli %scan3A_40, %mul3A_137 : i32
      %add3A_139 = arith.constant 3 : i32
      %add3A_140 = arith.addi %mul3A_138, %add3A_139 : i32
      %dma_wait3A_141 = arith.constant 0 : i32
      %dma_wait3A_142 = tpu.memref_slice %arg5[%add3A_140, %dma_wait3A_141] : memref<50x128xi32, #tpu.memory_space<vmem>> -> memref<1x128xi32, #tpu.memory_space<vmem>>
      %dma_wait3A_143 = tpu.memref_squeeze %dma_wait3A_142 : memref<1x128xi32, #tpu.memory_space<vmem>> -> memref<128xi32, #tpu.memory_space<vmem>>
      %dma_wait3A_144 = arith.constant 0 : i32
      %dma_wait3A_145 = arith.constant 0 : i32
      %dma_wait3A_146 = tpu.memref_slice %arg2[%dma_wait3A_144, %dma_wait3A_145] : memref<100000x128xf32, #tpu.memory_space<hbm>> -> memref<100000x128xf32, #tpu.memory_space<hbm>>
      tpu.wait_indirect_dma semaphore(%arg11 : memref<!tpu.dma_semaphore, #tpu.memory_space<semaphore_mem>>) src(%dma_wait3A_146 : memref<100000x128xf32, #tpu.memory_space<hbm>>) dst(%arg9 : memref<128x128xf32, #tpu.memory_space<vmem>>)
      %parallel_loop3A_147 = arith.constant 0 : i32
      %parallel_loop3A_148 = arith.constant 128 : i32
      %parallel_loop3A_149 = arith.constant 1 : i32
      scf.for %parallel_loop3A_205 = %parallel_loop3A_147 to %parallel_loop3A_148 step %parallel_loop3A_149  : i32 {
        %parallel_loop3A_206 = arith.index_cast %parallel_loop3A_205 : i32 to index
        %parallel_loop3A_207 = arith.constant 0 : index
        %parallel_loop3A_208 = tpu.vector_load %arg9[%parallel_loop3A_206, %parallel_loop3A_207] {strides = array<i32>} : memref<128x128xf32, #tpu.memory_space<vmem>>, vector<1x16xf32>,
        %parallel_loop3A_209 = vector.shape_cast %parallel_loop3A_208 : vector<1x16xf32> to vector<16xf32>
        %parallel_loop3A_210 = arith.constant 11.3137083 : f32
        %parallel_loop3A_211 = vector.broadcast %parallel_loop3A_210 : f32 to vector<16xf32>
        %parallel_loop3A_212 = arith.mulf %parallel_loop3A_209, %parallel_loop3A_211 : vector<16xf32>
        %parallel_loop3A_213 = arith.index_cast %parallel_loop3A_205 : i32 to index
        %parallel_loop3A_214 = arith.constant 0 : index
        %parallel_loop3A_215 = tpu.vector_load %arg9[%parallel_loop3A_213, %parallel_loop3A_214] {strides = array<i32>} : memref<128x128xf32, #tpu.memory_space<vmem>>, vector<1x16xf32>,
        %parallel_loop3A_216 = vector.shape_cast %parallel_loop3A_215 : vector<1x16xf32> to vector<16xf32>
        %parallel_loop3A_217 = vector.shape_cast %parallel_loop3A_212 : vector<16xf32> to vector<1x16xf32>
        tpu.vector_store %arg9[%parallel_loop3A_213, %parallel_loop3A_214], %parallel_loop3A_217 {strides = array<i32>} : memref<128x128xf32, #tpu.memory_space<vmem>>, vector<1x16xf32>,
        %parallel_loop3A_218 = arith.index_cast %parallel_loop3A_205 : i32 to index
        %parallel_loop3A_219 = arith.constant 16 : index
        %parallel_loop3A_220 = tpu.vector_load %arg9[%parallel_loop3A_218, %parallel_loop3A_219] {strides = array<i32>} : memref<128x128xf32, #tpu.memory_space<vmem>>, vector<1x16xf32>,
        %parallel_loop3A_221 = vector.shape_cast %parallel_loop3A_220 : vector<1x16xf32> to vector<16xf32>
        %parallel_loop3A_222 = arith.constant 11.3137083 : f32
        %parallel_loop3A_223 = vector.broadcast %parallel_loop3A_222 : f32 to vector<16xf32>
        %parallel_loop3A_224 = arith.mulf %parallel_loop3A_221, %parallel_loop3A_223 : vector<16xf32>
        %parallel_loop3A_225 = arith.index_cast %parallel_loop3A_205 : i32 to index
        %parallel_loop3A_226 = arith.constant 16 : index
        %parallel_loop3A_227 = tpu.vector_load %arg9[%parallel_loop3A_225, %parallel_loop3A_226] {strides = array<i32>} : memref<128x128xf32, #tpu.memory_space<vmem>>, vector<1x16xf32>,
        %parallel_loop3A_228 = vector.shape_cast %parallel_loop3A_227 : vector<1x16xf32> to vector<16xf32>
        %parallel_loop3A_229 = vector.shape_cast %parallel_loop3A_224 : vector<16xf32> to vector<1x16xf32>
        tpu.vector_store %arg9[%parallel_loop3A_225, %parallel_loop3A_226], %parallel_loop3A_229 {strides = array<i32>} : memref<128x128xf32, #tpu.memory_space<vmem>>, vector<1x16xf32>,
        %parallel_loop3A_230 = arith.index_cast %parallel_loop3A_205 : i32 to index
        %parallel_loop3A_231 = arith.constant 32 : index
        %parallel_loop3A_232 = tpu.vector_load %arg9[%parallel_loop3A_230, %parallel_loop3A_231] {strides = array<i32>} : memref<128x128xf32, #tpu.memory_space<vmem>>, vector<1x16xf32>,
        %parallel_loop3A_233 = vector.shape_cast %parallel_loop3A_232 : vector<1x16xf32> to vector<16xf32>
        %parallel_loop3A_234 = arith.constant 11.3137083 : f32
        %parallel_loop3A_235 = vector.broadcast %parallel_loop3A_234 : f32 to vector<16xf32>
        %parallel_loop3A_236 = arith.mulf %parallel_loop3A_233, %parallel_loop3A_235 : vector<16xf32>
        %parallel_loop3A_237 = arith.index_cast %parallel_loop3A_205 : i32 to index
        %parallel_loop3A_238 = arith.constant 32 : index
        %parallel_loop3A_239 = tpu.vector_load %arg9[%parallel_loop3A_237, %parallel_loop3A_238] {strides = array<i32>} : memref<128x128xf32, #tpu.memory_space<vmem>>, vector<1x16xf32>,
        %parallel_loop3A_240 = vector.shape_cast %parallel_loop3A_239 : vector<1x16xf32> to vector<16xf32>
        %parallel_loop3A_241 = vector.shape_cast %parallel_loop3A_236 : vector<16xf32> to vector<1x16xf32>
        tpu.vector_store %arg9[%parallel_loop3A_237, %parallel_loop3A_238], %parallel_loop3A_241 {strides = array<i32>} : memref<128x128xf32, #tpu.memory_space<vmem>>, vector<1x16xf32>,
        %parallel_loop3A_242 = arith.index_cast %parallel_loop3A_205 : i32 to index
        %parallel_loop3A_243 = arith.constant 48 : index
        %parallel_loop3A_244 = tpu.vector_load %arg9[%parallel_loop3A_242, %parallel_loop3A_243] {strides = array<i32>} : memref<128x128xf32, #tpu.memory_space<vmem>>, vector<1x16xf32>,
        %parallel_loop3A_245 = vector.shape_cast %parallel_loop3A_244 : vector<1x16xf32> to vector<16xf32>
        %parallel_loop3A_246 = arith.constant 11.3137083 : f32
        %parallel_loop3A_247 = vector.broadcast %parallel_loop3A_246 : f32 to vector<16xf32>
        %parallel_loop3A_248 = arith.mulf %parallel_loop3A_245, %parallel_loop3A_247 : vector<16xf32>
        %parallel_loop3A_249 = arith.index_cast %parallel_loop3A_205 : i32 to index
        %parallel_loop3A_250 = arith.constant 48 : index
        %parallel_loop3A_251 = tpu.vector_load %arg9[%parallel_loop3A_249, %parallel_loop3A_250] {strides = array<i32>} : memref<128x128xf32, #tpu.memory_space<vmem>>, vector<1x16xf32>,
        %parallel_loop3A_252 = vector.shape_cast %parallel_loop3A_251 : vector<1x16xf32> to vector<16xf32>
        %parallel_loop3A_253 = vector.shape_cast %parallel_loop3A_248 : vector<16xf32> to vector<1x16xf32>
        tpu.vector_store %arg9[%parallel_loop3A_249, %parallel_loop3A_250], %parallel_loop3A_253 {strides = array<i32>} : memref<128x128xf32, #tpu.memory_space<vmem>>, vector<1x16xf32>,
        %parallel_loop3A_254 = arith.index_cast %parallel_loop3A_205 : i32 to index
        %parallel_loop3A_255 = arith.constant 64 : index
        %parallel_loop3A_256 = tpu.vector_load %arg9[%parallel_loop3A_254, %parallel_loop3A_255] {strides = array<i32>} : memref<128x128xf32, #tpu.memory_space<vmem>>, vector<1x16xf32>,
        %parallel_loop3A_257 = vector.shape_cast %parallel_loop3A_256 : vector<1x16xf32> to vector<16xf32>
        %parallel_loop3A_258 = arith.constant 11.3137083 : f32
        %parallel_loop3A_259 = vector.broadcast %parallel_loop3A_258 : f32 to vector<16xf32>
        %parallel_loop3A_260 = arith.mulf %parallel_loop3A_257, %parallel_loop3A_259 : vector<16xf32>
        %parallel_loop3A_261 = arith.index_cast %parallel_loop3A_205 : i32 to index
        %parallel_loop3A_262 = arith.constant 64 : index
        %parallel_loop3A_263 = tpu.vector_load %arg9[%parallel_loop3A_261, %parallel_loop3A_262] {strides = array<i32>} : memref<128x128xf32, #tpu.memory_space<vmem>>, vector<1x16xf32>,
        %parallel_loop3A_264 = vector.shape_cast %parallel_loop3A_263 : vector<1x16xf32> to vector<16xf32>
        %parallel_loop3A_265 = vector.shape_cast %parallel_loop3A_260 : vector<16xf32> to vector<1x16xf32>
        tpu.vector_store %arg9[%parallel_loop3A_261, %parallel_loop3A_262], %parallel_loop3A_265 {strides = array<i32>} : memref<128x128xf32, #tpu.memory_space<vmem>>, vector<1x16xf32>,
        %parallel_loop3A_266 = arith.index_cast %parallel_loop3A_205 : i32 to index
        %parallel_loop3A_267 = arith.constant 80 : index
        %parallel_loop3A_268 = tpu.vector_load %arg9[%parallel_loop3A_266, %parallel_loop3A_267] {strides = array<i32>} : memref<128x128xf32, #tpu.memory_space<vmem>>, vector<1x16xf32>,
        %parallel_loop3A_269 = vector.shape_cast %parallel_loop3A_268 : vector<1x16xf32> to vector<16xf32>
        %parallel_loop3A_270 = arith.constant 11.3137083 : f32
        %parallel_loop3A_271 = vector.broadcast %parallel_loop3A_270 : f32 to vector<16xf32>
        %parallel_loop3A_272 = arith.mulf %parallel_loop3A_269, %parallel_loop3A_271 : vector<16xf32>
        %parallel_loop3A_273 = arith.index_cast %parallel_loop3A_205 : i32 to index
        %parallel_loop3A_274 = arith.constant 80 : index
        %parallel_loop3A_275 = tpu.vector_load %arg9[%parallel_loop3A_273, %parallel_loop3A_274] {strides = array<i32>} : memref<128x128xf32, #tpu.memory_space<vmem>>, vector<1x16xf32>,
        %parallel_loop3A_276 = vector.shape_cast %parallel_loop3A_275 : vector<1x16xf32> to vector<16xf32>
        %parallel_loop3A_277 = vector.shape_cast %parallel_loop3A_272 : vector<16xf32> to vector<1x16xf32>
        tpu.vector_store %arg9[%parallel_loop3A_273, %parallel_loop3A_274], %parallel_loop3A_277 {strides = array<i32>} : memref<128x128xf32, #tpu.memory_space<vmem>>, vector<1x16xf32>,
        %parallel_loop3A_278 = arith.index_cast %parallel_loop3A_205 : i32 to index
        %parallel_loop3A_279 = arith.constant 96 : index
        %parallel_loop3A_280 = tpu.vector_load %arg9[%parallel_loop3A_278, %parallel_loop3A_279] {strides = array<i32>} : memref<128x128xf32, #tpu.memory_space<vmem>>, vector<1x16xf32>,
        %parallel_loop3A_281 = vector.shape_cast %parallel_loop3A_280 : vector<1x16xf32> to vector<16xf32>
        %parallel_loop3A_282 = arith.constant 11.3137083 : f32
        %parallel_loop3A_283 = vector.broadcast %parallel_loop3A_282 : f32 to vector<16xf32>
        %parallel_loop3A_284 = arith.mulf %parallel_loop3A_281, %parallel_loop3A_283 : vector<16xf32>
        %parallel_loop3A_285 = arith.index_cast %parallel_loop3A_205 : i32 to index
        %parallel_loop3A_286 = arith.constant 96 : index
        %parallel_loop3A_287 = tpu.vector_load %arg9[%parallel_loop3A_285, %parallel_loop3A_286] {strides = array<i32>} : memref<128x128xf32, #tpu.memory_space<vmem>>, vector<1x16xf32>,
        %parallel_loop3A_288 = vector.shape_cast %parallel_loop3A_287 : vector<1x16xf32> to vector<16xf32>
        %parallel_loop3A_289 = vector.shape_cast %parallel_loop3A_284 : vector<16xf32> to vector<1x16xf32>
        tpu.vector_store %arg9[%parallel_loop3A_285, %parallel_loop3A_286], %parallel_loop3A_289 {strides = array<i32>} : memref<128x128xf32, #tpu.memory_space<vmem>>, vector<1x16xf32>,
        %parallel_loop3A_290 = arith.index_cast %parallel_loop3A_205 : i32 to index
        %parallel_loop3A_291 = arith.constant 112 : index
        %parallel_loop3A_292 = tpu.vector_load %arg9[%parallel_loop3A_290, %parallel_loop3A_291] {strides = array<i32>} : memref<128x128xf32, #tpu.memory_space<vmem>>, vector<1x16xf32>,
        %parallel_loop3A_293 = vector.shape_cast %parallel_loop3A_292 : vector<1x16xf32> to vector<16xf32>
        %parallel_loop3A_294 = arith.constant 11.3137083 : f32
        %parallel_loop3A_295 = vector.broadcast %parallel_loop3A_294 : f32 to vector<16xf32>
        %parallel_loop3A_296 = arith.mulf %parallel_loop3A_293, %parallel_loop3A_295 : vector<16xf32>
        %parallel_loop3A_297 = arith.index_cast %parallel_loop3A_205 : i32 to index
        %parallel_loop3A_298 = arith.constant 112 : index
        %parallel_loop3A_299 = tpu.vector_load %arg9[%parallel_loop3A_297, %parallel_loop3A_298] {strides = array<i32>} : memref<128x128xf32, #tpu.memory_space<vmem>>, vector<1x16xf32>,
        %parallel_loop3A_300 = vector.shape_cast %parallel_loop3A_299 : vector<1x16xf32> to vector<16xf32>
        %parallel_loop3A_301 = vector.shape_cast %parallel_loop3A_296 : vector<16xf32> to vector<1x16xf32>
        tpu.vector_store %arg9[%parallel_loop3A_297, %parallel_loop3A_298], %parallel_loop3A_301 {strides = array<i32>} : memref<128x128xf32, #tpu.memory_space<vmem>>, vector<1x16xf32>,
      } {sc.loop_unroll_factor = 4 : i64, sc.parallel_access}
      %ge3A_150 = arith.constant 1 : i32
      %ge3A_151 = arith.cmpi sge, %add3A_140, %ge3A_150 : i32
      %convert_element_type3A_152 = arith.extui %ge3A_151 : i1 to i32
      %cond3A_153 = arith.constant 0 : i32
      %cond3A_154 = arith.cmpi ne, %convert_element_type3A_152, %cond3A_153 : i32
      scf.if %cond3A_154 {
        %sub3A_205 = arith.constant 1 : i32
        %sub3A_206 = arith.subi %add3A_140, %sub3A_205 : i32
        %mul3A_207 = arith.constant 128 : i32
        %mul3A_208 = arith.muli %sub3A_206, %mul3A_207 : i32
        %add3A_209 = arith.addi %mul3A_2, %mul3A_208 : i32
        %dma_wait3A_210 = arith.constant 0 : i32
        %dma_wait3A_211 = tpu.memref_slice %arg4[%add3A_209, %dma_wait3A_210] : memref<204800x128xf32, #tpu.memory_space<hbm>> -> memref<128x128xf32, #tpu.memory_space<hbm>>
        %dma_wait3A_212 = arith.constant 0 : i32
        %dma_wait3A_213 = tpu.memref_slice %arg4[%add3A_209, %dma_wait3A_212] : memref<204800x128xf32, #tpu.memory_space<hbm>> -> memref<128x128xf32, #tpu.memory_space<hbm>>
        tpu.wait_dma2 semaphore(%arg12 : memref<!tpu.dma_semaphore, #tpu.memory_space<semaphore_mem>>) src(%arg8 : memref<128x128xf32, #tpu.memory_space<vmem>>) dst(%dma_wait3A_213 : memref<128x128xf32, #tpu.memory_space<hbm>>)
      } else {
      }
      %mul3A_155 = arith.constant 128 : i32
      %mul3A_156 = arith.muli %add3A_140, %mul3A_155 : i32
      %add3A_157 = arith.addi %mul3A_2, %mul3A_156 : i32
      %dma_start3A_158 = arith.constant 0 : i32
      %dma_start3A_159 = tpu.memref_slice %arg4[%add3A_157, %dma_start3A_158] : memref<204800x128xf32, #tpu.memory_space<hbm>> -> memref<128x128xf32, #tpu.memory_space<hbm>>
      %dma_start3A_160 = arith.constant 0 : i32
      %dma_start3A_161 = tpu.memref_slice %arg4[%add3A_157, %dma_start3A_160] : memref<204800x128xf32, #tpu.memory_space<hbm>> -> memref<128x128xf32, #tpu.memory_space<hbm>>
      tpu.enqueue_dma source(%arg9 : memref<128x128xf32, #tpu.memory_space<vmem>>) target(%dma_start3A_161 : memref<128x128xf32, #tpu.memory_space<hbm>>) target_semaphore(%arg12 : memref<!tpu.dma_semaphore, #tpu.memory_space<semaphore_mem>>)
      %add3A_162 = arith.constant 5 : i32
      %add3A_163 = arith.addi %add3A_140, %add3A_162 : i32
      %sub3A_164 = arith.constant 1 : i32
      %sub3A_165 = arith.subi %add3A_163, %sub3A_164 : i32
      %lt3A_166 = arith.constant 50 : i32
      %lt3A_167 = arith.cmpi slt, %sub3A_165, %lt3A_166 : i32
      %convert_element_type3A_168 = arith.extui %lt3A_167 : i1 to i32
      %cond3A_169 = arith.constant 0 : i32
      %cond3A_170 = arith.cmpi ne, %convert_element_type3A_168, %cond3A_169 : i32
      scf.if %cond3A_170 {
        %add3A_205 = arith.constant 5 : i32
        %add3A_206 = arith.addi %add3A_140, %add3A_205 : i32
        %sub3A_207 = arith.constant 1 : i32
        %sub3A_208 = arith.subi %add3A_206, %sub3A_207 : i32
        %dma_start3A_209 = arith.constant 0 : i32
        %dma_start3A_210 = tpu.memref_slice %arg5[%sub3A_208, %dma_start3A_209] : memref<50x128xi32, #tpu.memory_space<vmem>> -> memref<1x128xi32, #tpu.memory_space<vmem>>
        %dma_start3A_211 = tpu.memref_squeeze %dma_start3A_210 : memref<1x128xi32, #tpu.memory_space<vmem>> -> memref<128xi32, #tpu.memory_space<vmem>>
        %dma_start3A_212 = arith.constant 0 : i32
        %dma_start3A_213 = arith.constant 0 : i32
        %dma_start3A_214 = tpu.memref_slice %arg2[%dma_start3A_212, %dma_start3A_213] : memref<100000x128xf32, #tpu.memory_space<hbm>> -> memref<100000x128xf32, #tpu.memory_space<hbm>>
        tpu.enqueue_indirect_dma source(%dma_start3A_214 : memref<100000x128xf32, #tpu.memory_space<hbm>>) target(%arg8 : memref<128x128xf32, #tpu.memory_space<vmem>>) offsets(%dma_start3A_211 : memref<128xi32, #tpu.memory_space<vmem>>) semaphore(%arg11 : memref<!tpu.dma_semaphore, #tpu.memory_space<semaphore_mem>>)
      } else {
      }
      %mul3A_171 = arith.constant 5 : i32
      %mul3A_172 = arith.muli %scan3A_40, %mul3A_171 : i32
      %add3A_173 = arith.constant 4 : i32
      %add3A_174 = arith.addi %mul3A_172, %add3A_173 : i32
      %dma_wait3A_175 = arith.constant 0 : i32
      %dma_wait3A_176 = tpu.memref_slice %arg5[%add3A_174, %dma_wait3A_175] : memref<50x128xi32, #tpu.memory_space<vmem>> -> memref<1x128xi32, #tpu.memory_space<vmem>>
      %dma_wait3A_177 = tpu.memref_squeeze %dma_wait3A_176 : memref<1x128xi32, #tpu.memory_space<vmem>> -> memref<128xi32, #tpu.memory_space<vmem>>
      %dma_wait3A_178 = arith.constant 0 : i32
      %dma_wait3A_179 = arith.constant 0 : i32
      %dma_wait3A_180 = tpu.memref_slice %arg2[%dma_wait3A_178, %dma_wait3A_179] : memref<100000x128xf32, #tpu.memory_space<hbm>> -> memref<100000x128xf32, #tpu.memory_space<hbm>>
      tpu.wait_indirect_dma semaphore(%arg11 : memref<!tpu.dma_semaphore, #tpu.memory_space<semaphore_mem>>) src(%dma_wait3A_180 : memref<100000x128xf32, #tpu.memory_space<hbm>>) dst(%arg10 : memref<128x128xf32, #tpu.memory_space<vmem>>)
      %parallel_loop3A_181 = arith.constant 0 : i32
      %parallel_loop3A_182 = arith.constant 128 : i32
      %parallel_loop3A_183 = arith.constant 1 : i32
      scf.for %parallel_loop3A_205 = %parallel_loop3A_181 to %parallel_loop3A_182 step %parallel_loop3A_183  : i32 {
        %parallel_loop3A_206 = arith.index_cast %parallel_loop3A_205 : i32 to index
        %parallel_loop3A_207 = arith.constant 0 : index
        %parallel_loop3A_208 = tpu.vector_load %arg10[%parallel_loop3A_206, %parallel_loop3A_207] {strides = array<i32>} : memref<128x128xf32, #tpu.memory_space<vmem>>, vector<1x16xf32>,
        %parallel_loop3A_209 = vector.shape_cast %parallel_loop3A_208 : vector<1x16xf32> to vector<16xf32>
        %parallel_loop3A_210 = arith.constant 11.3137083 : f32
        %parallel_loop3A_211 = vector.broadcast %parallel_loop3A_210 : f32 to vector<16xf32>
        %parallel_loop3A_212 = arith.mulf %parallel_loop3A_209, %parallel_loop3A_211 : vector<16xf32>
        %parallel_loop3A_213 = arith.index_cast %parallel_loop3A_205 : i32 to index
        %parallel_loop3A_214 = arith.constant 0 : index
        %parallel_loop3A_215 = tpu.vector_load %arg10[%parallel_loop3A_213, %parallel_loop3A_214] {strides = array<i32>} : memref<128x128xf32, #tpu.memory_space<vmem>>, vector<1x16xf32>,
        %parallel_loop3A_216 = vector.shape_cast %parallel_loop3A_215 : vector<1x16xf32> to vector<16xf32>
        %parallel_loop3A_217 = vector.shape_cast %parallel_loop3A_212 : vector<16xf32> to vector<1x16xf32>
        tpu.vector_store %arg10[%parallel_loop3A_213, %parallel_loop3A_214], %parallel_loop3A_217 {strides = array<i32>} : memref<128x128xf32, #tpu.memory_space<vmem>>, vector<1x16xf32>,
        %parallel_loop3A_218 = arith.index_cast %parallel_loop3A_205 : i32 to index
        %parallel_loop3A_219 = arith.constant 16 : index
        %parallel_loop3A_220 = tpu.vector_load %arg10[%parallel_loop3A_218, %parallel_loop3A_219] {strides = array<i32>} : memref<128x128xf32, #tpu.memory_space<vmem>>, vector<1x16xf32>,
        %parallel_loop3A_221 = vector.shape_cast %parallel_loop3A_220 : vector<1x16xf32> to vector<16xf32>
        %parallel_loop3A_222 = arith.constant 11.3137083 : f32
        %parallel_loop3A_223 = vector.broadcast %parallel_loop3A_222 : f32 to vector<16xf32>
        %parallel_loop3A_224 = arith.mulf %parallel_loop3A_221, %parallel_loop3A_223 : vector<16xf32>
        %parallel_loop3A_225 = arith.index_cast %parallel_loop3A_205 : i32 to index
        %parallel_loop3A_226 = arith.constant 16 : index
        %parallel_loop3A_227 = tpu.vector_load %arg10[%parallel_loop3A_225, %parallel_loop3A_226] {strides = array<i32>} : memref<128x128xf32, #tpu.memory_space<vmem>>, vector<1x16xf32>,
        %parallel_loop3A_228 = vector.shape_cast %parallel_loop3A_227 : vector<1x16xf32> to vector<16xf32>
        %parallel_loop3A_229 = vector.shape_cast %parallel_loop3A_224 : vector<16xf32> to vector<1x16xf32>
        tpu.vector_store %arg10[%parallel_loop3A_225, %parallel_loop3A_226], %parallel_loop3A_229 {strides = array<i32>} : memref<128x128xf32, #tpu.memory_space<vmem>>, vector<1x16xf32>,
        %parallel_loop3A_230 = arith.index_cast %parallel_loop3A_205 : i32 to index
        %parallel_loop3A_231 = arith.constant 32 : index
        %parallel_loop3A_232 = tpu.vector_load %arg10[%parallel_loop3A_230, %parallel_loop3A_231] {strides = array<i32>} : memref<128x128xf32, #tpu.memory_space<vmem>>, vector<1x16xf32>,
        %parallel_loop3A_233 = vector.shape_cast %parallel_loop3A_232 : vector<1x16xf32> to vector<16xf32>
        %parallel_loop3A_234 = arith.constant 11.3137083 : f32
        %parallel_loop3A_235 = vector.broadcast %parallel_loop3A_234 : f32 to vector<16xf32>
        %parallel_loop3A_236 = arith.mulf %parallel_loop3A_233, %parallel_loop3A_235 : vector<16xf32>
        %parallel_loop3A_237 = arith.index_cast %parallel_loop3A_205 : i32 to index
        %parallel_loop3A_238 = arith.constant 32 : index
        %parallel_loop3A_239 = tpu.vector_load %arg10[%parallel_loop3A_237, %parallel_loop3A_238] {strides = array<i32>} : memref<128x128xf32, #tpu.memory_space<vmem>>, vector<1x16xf32>,
        %parallel_loop3A_240 = vector.shape_cast %parallel_loop3A_239 : vector<1x16xf32> to vector<16xf32>
        %parallel_loop3A_241 = vector.shape_cast %parallel_loop3A_236 : vector<16xf32> to vector<1x16xf32>
        tpu.vector_store %arg10[%parallel_loop3A_237, %parallel_loop3A_238], %parallel_loop3A_241 {strides = array<i32>} : memref<128x128xf32, #tpu.memory_space<vmem>>, vector<1x16xf32>,
        %parallel_loop3A_242 = arith.index_cast %parallel_loop3A_205 : i32 to index
        %parallel_loop3A_243 = arith.constant 48 : index
        %parallel_loop3A_244 = tpu.vector_load %arg10[%parallel_loop3A_242, %parallel_loop3A_243] {strides = array<i32>} : memref<128x128xf32, #tpu.memory_space<vmem>>, vector<1x16xf32>,
        %parallel_loop3A_245 = vector.shape_cast %parallel_loop3A_244 : vector<1x16xf32> to vector<16xf32>
        %parallel_loop3A_246 = arith.constant 11.3137083 : f32
        %parallel_loop3A_247 = vector.broadcast %parallel_loop3A_246 : f32 to vector<16xf32>
        %parallel_loop3A_248 = arith.mulf %parallel_loop3A_245, %parallel_loop3A_247 : vector<16xf32>
        %parallel_loop3A_249 = arith.index_cast %parallel_loop3A_205 : i32 to index
        %parallel_loop3A_250 = arith.constant 48 : index
        %parallel_loop3A_251 = tpu.vector_load %arg10[%parallel_loop3A_249, %parallel_loop3A_250] {strides = array<i32>} : memref<128x128xf32, #tpu.memory_space<vmem>>, vector<1x16xf32>,
        %parallel_loop3A_252 = vector.shape_cast %parallel_loop3A_251 : vector<1x16xf32> to vector<16xf32>
        %parallel_loop3A_253 = vector.shape_cast %parallel_loop3A_248 : vector<16xf32> to vector<1x16xf32>
        tpu.vector_store %arg10[%parallel_loop3A_249, %parallel_loop3A_250], %parallel_loop3A_253 {strides = array<i32>} : memref<128x128xf32, #tpu.memory_space<vmem>>, vector<1x16xf32>,
        %parallel_loop3A_254 = arith.index_cast %parallel_loop3A_205 : i32 to index
        %parallel_loop3A_255 = arith.constant 64 : index
        %parallel_loop3A_256 = tpu.vector_load %arg10[%parallel_loop3A_254, %parallel_loop3A_255] {strides = array<i32>} : memref<128x128xf32, #tpu.memory_space<vmem>>, vector<1x16xf32>,
        %parallel_loop3A_257 = vector.shape_cast %parallel_loop3A_256 : vector<1x16xf32> to vector<16xf32>
        %parallel_loop3A_258 = arith.constant 11.3137083 : f32
        %parallel_loop3A_259 = vector.broadcast %parallel_loop3A_258 : f32 to vector<16xf32>
        %parallel_loop3A_260 = arith.mulf %parallel_loop3A_257, %parallel_loop3A_259 : vector<16xf32>
        %parallel_loop3A_261 = arith.index_cast %parallel_loop3A_205 : i32 to index
        %parallel_loop3A_262 = arith.constant 64 : index
        %parallel_loop3A_263 = tpu.vector_load %arg10[%parallel_loop3A_261, %parallel_loop3A_262] {strides = array<i32>} : memref<128x128xf32, #tpu.memory_space<vmem>>, vector<1x16xf32>,
        %parallel_loop3A_264 = vector.shape_cast %parallel_loop3A_263 : vector<1x16xf32> to vector<16xf32>
        %parallel_loop3A_265 = vector.shape_cast %parallel_loop3A_260 : vector<16xf32> to vector<1x16xf32>
        tpu.vector_store %arg10[%parallel_loop3A_261, %parallel_loop3A_262], %parallel_loop3A_265 {strides = array<i32>} : memref<128x128xf32, #tpu.memory_space<vmem>>, vector<1x16xf32>,
        %parallel_loop3A_266 = arith.index_cast %parallel_loop3A_205 : i32 to index
        %parallel_loop3A_267 = arith.constant 80 : index
        %parallel_loop3A_268 = tpu.vector_load %arg10[%parallel_loop3A_266, %parallel_loop3A_267] {strides = array<i32>} : memref<128x128xf32, #tpu.memory_space<vmem>>, vector<1x16xf32>,
        %parallel_loop3A_269 = vector.shape_cast %parallel_loop3A_268 : vector<1x16xf32> to vector<16xf32>
        %parallel_loop3A_270 = arith.constant 11.3137083 : f32
        %parallel_loop3A_271 = vector.broadcast %parallel_loop3A_270 : f32 to vector<16xf32>
        %parallel_loop3A_272 = arith.mulf %parallel_loop3A_269, %parallel_loop3A_271 : vector<16xf32>
        %parallel_loop3A_273 = arith.index_cast %parallel_loop3A_205 : i32 to index
        %parallel_loop3A_274 = arith.constant 80 : index
        %parallel_loop3A_275 = tpu.vector_load %arg10[%parallel_loop3A_273, %parallel_loop3A_274] {strides = array<i32>} : memref<128x128xf32, #tpu.memory_space<vmem>>, vector<1x16xf32>,
        %parallel_loop3A_276 = vector.shape_cast %parallel_loop3A_275 : vector<1x16xf32> to vector<16xf32>
        %parallel_loop3A_277 = vector.shape_cast %parallel_loop3A_272 : vector<16xf32> to vector<1x16xf32>
        tpu.vector_store %arg10[%parallel_loop3A_273, %parallel_loop3A_274], %parallel_loop3A_277 {strides = array<i32>} : memref<128x128xf32, #tpu.memory_space<vmem>>, vector<1x16xf32>,
        %parallel_loop3A_278 = arith.index_cast %parallel_loop3A_205 : i32 to index
        %parallel_loop3A_279 = arith.constant 96 : index
        %parallel_loop3A_280 = tpu.vector_load %arg10[%parallel_loop3A_278, %parallel_loop3A_279] {strides = array<i32>} : memref<128x128xf32, #tpu.memory_space<vmem>>, vector<1x16xf32>,
        %parallel_loop3A_281 = vector.shape_cast %parallel_loop3A_280 : vector<1x16xf32> to vector<16xf32>
        %parallel_loop3A_282 = arith.constant 11.3137083 : f32
        %parallel_loop3A_283 = vector.broadcast %parallel_loop3A_282 : f32 to vector<16xf32>
        %parallel_loop3A_284 = arith.mulf %parallel_loop3A_281, %parallel_loop3A_283 : vector<16xf32>
        %parallel_loop3A_285 = arith.index_cast %parallel_loop3A_205 : i32 to index
        %parallel_loop3A_286 = arith.constant 96 : index
        %parallel_loop3A_287 = tpu.vector_load %arg10[%parallel_loop3A_285, %parallel_loop3A_286] {strides = array<i32>} : memref<128x128xf32, #tpu.memory_space<vmem>>, vector<1x16xf32>,
        %parallel_loop3A_288 = vector.shape_cast %parallel_loop3A_287 : vector<1x16xf32> to vector<16xf32>
        %parallel_loop3A_289 = vector.shape_cast %parallel_loop3A_284 : vector<16xf32> to vector<1x16xf32>
        tpu.vector_store %arg10[%parallel_loop3A_285, %parallel_loop3A_286], %parallel_loop3A_289 {strides = array<i32>} : memref<128x128xf32, #tpu.memory_space<vmem>>, vector<1x16xf32>,
        %parallel_loop3A_290 = arith.index_cast %parallel_loop3A_205 : i32 to index
        %parallel_loop3A_291 = arith.constant 112 : index
        %parallel_loop3A_292 = tpu.vector_load %arg10[%parallel_loop3A_290, %parallel_loop3A_291] {strides = array<i32>} : memref<128x128xf32, #tpu.memory_space<vmem>>, vector<1x16xf32>,
        %parallel_loop3A_293 = vector.shape_cast %parallel_loop3A_292 : vector<1x16xf32> to vector<16xf32>
        %parallel_loop3A_294 = arith.constant 11.3137083 : f32
        %parallel_loop3A_295 = vector.broadcast %parallel_loop3A_294 : f32 to vector<16xf32>
        %parallel_loop3A_296 = arith.mulf %parallel_loop3A_293, %parallel_loop3A_295 : vector<16xf32>
        %parallel_loop3A_297 = arith.index_cast %parallel_loop3A_205 : i32 to index
        %parallel_loop3A_298 = arith.constant 112 : index
        %parallel_loop3A_299 = tpu.vector_load %arg10[%parallel_loop3A_297, %parallel_loop3A_298] {strides = array<i32>} : memref<128x128xf32, #tpu.memory_space<vmem>>, vector<1x16xf32>,
        %parallel_loop3A_300 = vector.shape_cast %parallel_loop3A_299 : vector<1x16xf32> to vector<16xf32>
        %parallel_loop3A_301 = vector.shape_cast %parallel_loop3A_296 : vector<16xf32> to vector<1x16xf32>
        tpu.vector_store %arg10[%parallel_loop3A_297, %parallel_loop3A_298], %parallel_loop3A_301 {strides = array<i32>} : memref<128x128xf32, #tpu.memory_space<vmem>>, vector<1x16xf32>,
      } {sc.loop_unroll_factor = 4 : i64, sc.parallel_access}
      %ge3A_184 = arith.constant 1 : i32
      %ge3A_185 = arith.cmpi sge, %add3A_174, %ge3A_184 : i32
      %convert_element_type3A_186 = arith.extui %ge3A_185 : i1 to i32
      %cond3A_187 = arith.constant 0 : i32
      %cond3A_188 = arith.cmpi ne, %convert_element_type3A_186, %cond3A_187 : i32
      scf.if %cond3A_188 {
        %sub3A_205 = arith.constant 1 : i32
        %sub3A_206 = arith.subi %add3A_174, %sub3A_205 : i32
        %mul3A_207 = arith.constant 128 : i32
        %mul3A_208 = arith.muli %sub3A_206, %mul3A_207 : i32
        %add3A_209 = arith.addi %mul3A_2, %mul3A_208 : i32
        %dma_wait3A_210 = arith.constant 0 : i32
        %dma_wait3A_211 = tpu.memref_slice %arg4[%add3A_209, %dma_wait3A_210] : memref<204800x128xf32, #tpu.memory_space<hbm>> -> memref<128x128xf32, #tpu.memory_space<hbm>>
        %dma_wait3A_212 = arith.constant 0 : i32
        %dma_wait3A_213 = tpu.memref_slice %arg4[%add3A_209, %dma_wait3A_212] : memref<204800x128xf32, #tpu.memory_space<hbm>> -> memref<128x128xf32, #tpu.memory_space<hbm>>
        tpu.wait_dma2 semaphore(%arg12 : memref<!tpu.dma_semaphore, #tpu.memory_space<semaphore_mem>>) src(%arg9 : memref<128x128xf32, #tpu.memory_space<vmem>>) dst(%dma_wait3A_213 : memref<128x128xf32, #tpu.memory_space<hbm>>)
      } else {
      }
      %mul3A_189 = arith.constant 128 : i32
      %mul3A_190 = arith.muli %add3A_174, %mul3A_189 : i32
      %add3A_191 = arith.addi %mul3A_2, %mul3A_190 : i32
      %dma_start3A_192 = arith.constant 0 : i32
      %dma_start3A_193 = tpu.memref_slice %arg4[%add3A_191, %dma_start3A_192] : memref<204800x128xf32, #tpu.memory_space<hbm>> -> memref<128x128xf32, #tpu.memory_space<hbm>>
      %dma_start3A_194 = arith.constant 0 : i32
      %dma_start3A_195 = tpu.memref_slice %arg4[%add3A_191, %dma_start3A_194] : memref<204800x128xf32, #tpu.memory_space<hbm>> -> memref<128x128xf32, #tpu.memory_space<hbm>>
      tpu.enqueue_dma source(%arg10 : memref<128x128xf32, #tpu.memory_space<vmem>>) target(%dma_start3A_195 : memref<128x128xf32, #tpu.memory_space<hbm>>) target_semaphore(%arg12 : memref<!tpu.dma_semaphore, #tpu.memory_space<semaphore_mem>>)
      %add3A_196 = arith.constant 5 : i32
      %add3A_197 = arith.addi %add3A_174, %add3A_196 : i32
      %sub3A_198 = arith.constant 1 : i32
      %sub3A_199 = arith.subi %add3A_197, %sub3A_198 : i32
      %lt3A_200 = arith.constant 50 : i32
      %lt3A_201 = arith.cmpi slt, %sub3A_199, %lt3A_200 : i32
      %convert_element_type3A_202 = arith.extui %lt3A_201 : i1 to i32
      %cond3A_203 = arith.constant 0 : i32
      %cond3A_204 = arith.cmpi ne, %convert_element_type3A_202, %cond3A_203 : i32
      scf.if %cond3A_204 {
        %add3A_205 = arith.constant 5 : i32
        %add3A_206 = arith.addi %add3A_174, %add3A_205 : i32
        %sub3A_207 = arith.constant 1 : i32
        %sub3A_208 = arith.subi %add3A_206, %sub3A_207 : i32
        %dma_start3A_209 = arith.constant 0 : i32
        %dma_start3A_210 = tpu.memref_slice %arg5[%sub3A_208, %dma_start3A_209] : memref<50x128xi32, #tpu.memory_space<vmem>> -> memref<1x128xi32, #tpu.memory_space<vmem>>
        %dma_start3A_211 = tpu.memref_squeeze %dma_start3A_210 : memref<1x128xi32, #tpu.memory_space<vmem>> -> memref<128xi32, #tpu.memory_space<vmem>>
        %dma_start3A_212 = arith.constant 0 : i32
        %dma_start3A_213 = arith.constant 0 : i32
        %dma_start3A_214 = tpu.memref_slice %arg2[%dma_start3A_212, %dma_start3A_213] : memref<100000x128xf32, #tpu.memory_space<hbm>> -> memref<100000x128xf32, #tpu.memory_space<hbm>>
        tpu.enqueue_indirect_dma source(%dma_start3A_214 : memref<100000x128xf32, #tpu.memory_space<hbm>>) target(%arg9 : memref<128x128xf32, #tpu.memory_space<vmem>>) offsets(%dma_start3A_211 : memref<128xi32, #tpu.memory_space<vmem>>) semaphore(%arg11 : memref<!tpu.dma_semaphore, #tpu.memory_space<semaphore_mem>>)
      } else {
      }
    }
    %scan3A_34 = arith.constant 10 : i32
    %add3A_35 = arith.constant 6272 : i32
    %add3A_36 = arith.addi %mul3A_2, %add3A_35 : i32
    %dma_wait3A = arith.constant 0 : i32
    %dma_wait3A_37 = tpu.memref_slice %arg4[%add3A_36, %dma_wait3A] : memref<204800x128xf32, #tpu.memory_space<hbm>> -> memref<128x128xf32, #tpu.memory_space<hbm>>
    %dma_wait3A_38 = arith.constant 0 : i32
    %dma_wait3A_39 = tpu.memref_slice %arg4[%add3A_36, %dma_wait3A_38] : memref<204800x128xf32, #tpu.memory_space<hbm>> -> memref<128x128xf32, #tpu.memory_space<hbm>>
    tpu.wait_dma2 semaphore(%arg12 : memref<!tpu.dma_semaphore, #tpu.memory_space<semaphore_mem>>) src(%arg10 : memref<128x128xf32, #tpu.memory_space<vmem>>) dst(%dma_wait3A_39 : memref<128x128xf32, #tpu.memory_space<hbm>>)
    return
  }
}

</mosaic_0001>

<sc_bundles>
// kernel: kernel.3.cloned.1.call-start
scs
__scs_entry_jumppad:
0x0: {  	(pc) =	sbr.rel $0x88, $3  }
0x1: {  	(tag) =	ssettag $0x0;
	lr =	simm.s32 $0x1  }
0x2: {  	[smem:$0x3F9F] =	sst lr;
	_ =	strace $0xD0000000  }
0x3: {  	_ = 	snop  }
0x4: {  	_ = 	snop  }
0x5: {  	_ = 	snop  }
0x6: {  	_ = 	snop  }
0x7: {  	_ = 	snop  }
__scs_overlays_trampoline_lowered:
0x8: {  	[smem:$0x3FAE] =	sst s0  }
0x9: {  	[smem:$0x3FAF] =	sst s1  }
0xa: {  	[smem:$0x3FB0] =	sst s2  }
0xb: {  	[smem:$0x3FB1] =	sst s3  }
0xc: {  	[smem:$0x3FB2] =	sst s4  }
0xd: {  	[smem:$0x3FB3] =	sst s5  }
0xe: {  	[smem:$0x3FB4] =	sst s6  }
0xf: {  	[smem:$0x3FB5] =	sst s7  }
0x10: {  	[smem:$0x3FB6] =	sst s8  }
0x11: {  	[smem:$0x3FB7] =	sst s9;
	s0 =	simm.s32 @!p0 $0x0  }
0x12: {  	s1 =	sld [smem:$0x3F9D];
	s0 =	simm.s32 @p0 $0x1  }
0x13: {  	[smem:$0x3FB8] =	sst s0;
	s0 =	simm.s32 @!p1 $0x0  }
0x14: {  	s2 =	sld [smem:$0x3F9C];
	s0 =	simm.s32 @p1 $0x1  }
0x15: {  	[smem:$0x3FB9] =	sst s0;
	s0 =	simm.s32 @!p2 $0x0  }
0x16: {  	s3 =	sld [smem:$0x3FDB];
	s0 =	simm.s32 @p2 $0x1  }
0x17: {  	s4 =	simm.s32 $0x1BF5;
	[smem:$0x3FBB] =	sst s0  }
0x18: {  	s0 =	sld [smem:$0x3F9E];
	_ =	swait.ge [sflag:s4], $0x0  }
0x19: {  	s7 =	sld [smem:$0x3F9F]  }
0x1a: {  	s8 =	sadd.s32 $0xFFFFE003, lr  }
0x1b: {  	s9 =	sadd.s32 $0xFFFFFEF7, lr;
	s5 =	simm.s32 $0xFFFFFFFF;
	p2 =	slt.u32 s8, $0xFFFFF086  }
0x1c: {  	p1 =	slt.u32 s9, $0xF7A;
	s5 =	simm.s32 @!p2 $0x0  }
0x1d: {  	s5 =	simm.s32 @p1 $0x1;
	p0 =	seq.s32 s7, s2  }
0x1e: {  	s7 =	smul.u32 @!p0 $0xF7A, s2;
	p2 =	seq.s32 @!p0 s5, $0x0  }
0x1f: {  	s9 =	smul.u32 $0xF7A, s1;
	s8 =	simm.s32 @!p0 $0x1BF5;
	p2 =	por !p2, p0  }
0x20: {  	[sflag:s8] =	ssyncset.s32 @!p0 $0xFFFFF086;
	s6 =	sadd.s32 @!p0 s3, s7;
	s7 =	simm.s32 @!p0 $0x108  }
0x21: {  	s3 =	sadd.s32 s3, s9;
	s6 =	sadd.s32 @!p0 $0x88, s6;
	s7 =	simm.s32 @p2 $0x1082  }
0x22: {  	[simem:s7], [sflag:s8] =	dma.local @!p0 [hbm:s6], $0xF7A  }
0x23: {  	s9 =	sor.u32 $0xD0000000, s2;
	s6 =	simm.s32 $0x108;
	_ =	swait.ge @!p0 [sflag:s8], $0x0  }
0x24: {  	s3 =	sadd.s32 $0x88, s3;
	s6 =	simm.s32 @!p1 $0x1082;
	[sflag:s4] =	ssyncset.s32 $0xFFFFF086  }
0x25: {  	[simem:s6], [sflag:s4] =	dma.local [hbm:s3], $0xF7A  }
0x26: {  	[smem:$0x3F9F] =	sst s1;
	(tag) =	ssettag s2;
	_ =	strace s9  }
0x27: {  	s1 =	sld [smem:$0x3FAF]  }
0x28: {  	s2 =	sld [smem:$0x3FB0]  }
0x29: {  	s4 =	sld [smem:$0x3FB2]  }
0x2a: {  	p0 =	seq.s32 s5, $0x0;
	s5 =	sld [smem:$0x3FB3]  }
0x2b: {  	s6 =	sld [smem:$0x3FB4]  }
0x2c: {  	s7 =	sld [smem:$0x3FB5]  }
0x2d: {  	s3 =	simm.s32 $0x108;
	s8 =	sld [smem:$0x3FB6]  }
0x2e: {  	s3 =	simm.s32 @!p0 $0x1082;
	s9 =	sld [smem:$0x3FB7]  }
0x2f: {  	lr =	sadd.s32 s0, s3;
	s0 =	sld [smem:$0x3FAE]  }
0x30: {  	s3 =	sld [smem:$0x3FB1]  }
0x31: {  	[smem:$0x3FBA] =	sst s10  }
0x32: {  	s10 =	sld [smem:$0x3FB8];
	_ =	sdelay $0x3  }
0x33: {  	p0 =	seq.s32 s10, $0x1;
	s10 =	sld [smem:$0x3FBA];
	_ =	sdelay $0x3  }
0x34: {  	[smem:$0x3FBA] =	sst s10  }
0x35: {  	s10 =	sld [smem:$0x3FB9];
	_ =	sdelay $0x3  }
0x36: {  	p1 =	seq.s32 s10, $0x1;
	s10 =	sld [smem:$0x3FBA];
	_ =	sdelay $0x3  }
0x37: {  	[smem:$0x3FBA] =	sst s10  }
0x38: {  	s10 =	sld [smem:$0x3FBB]  }
0x39: {  	_ = 	snop;
	(pc) =	sbr.ind lr, $3  }
0x3a: {  	_ = 	snop  }
0x3b: {  	_ = 	snop  }
0x3c: {  	p2 =	seq.s32 s10, $0x1;
	s10 =	sld [smem:$0x3FBA]  }
0x3d: {  	_ =	shalt  }
0x3e: {  	_ =	shalt  }
0x3f: {  	_ =	shalt  }
0x40: {  	_ =	shalt  }
0x41: {  	_ =	shalt  }
0x42: {  	_ =	shalt  }
0x43: {  	_ =	shalt  }
0x44: {  	_ =	shalt  }
0x45: {  	_ =	shalt  }
0x46: {  	_ =	shalt  }
0x47: {  	_ =	shalt  }
0x48: {  	_ =	shalt  }
0x49: {  	_ =	shalt  }
0x4a: {  	_ =	shalt  }
0x4b: {  	_ =	shalt  }
0x4c: {  	_ =	shalt  }
0x4d: {  	_ =	shalt  }
0x4e: {  	_ =	shalt  }
0x4f: {  	_ =	shalt  }
0x50: {  	_ =	shalt  }
0x51: {  	_ =	shalt  }
0x52: {  	_ =	shalt  }
0x53: {  	_ =	shalt  }
0x54: {  	_ =	shalt  }
0x55: {  	_ =	shalt  }
0x56: {  	_ =	shalt  }
0x57: {  	_ =	shalt  }
0x58: {  	_ =	shalt  }
0x59: {  	_ =	shalt  }
0x5a: {  	_ =	shalt  }
0x5b: {  	_ =	shalt  }
0x5c: {  	_ =	shalt  }
0x5d: {  	_ =	shalt  }
0x5e: {  	_ =	shalt  }
0x5f: {  	_ =	shalt  }
0x60: {  	_ =	shalt  }
0x61: {  	_ =	shalt  }
0x62: {  	_ =	shalt  }
0x63: {  	_ =	shalt  }
0x64: {  	_ =	shalt  }
0x65: {  	_ =	shalt  }
0x66: {  	_ =	shalt  }
0x67: {  	_ =	shalt  }
0x68: {  	_ =	shalt  }
0x69: {  	_ =	shalt  }
0x6a: {  	_ =	shalt  }
0x6b: {  	_ =	shalt  }
0x6c: {  	_ =	shalt  }
0x6d: {  	_ =	shalt  }
0x6e: {  	_ =	shalt  }
0x6f: {  	_ =	shalt  }
0x70: {  	_ =	shalt  }
0x71: {  	_ =	shalt  }
0x72: {  	_ =	shalt  }
0x73: {  	_ =	shalt  }
0x74: {  	_ =	shalt  }
0x75: {  	_ =	shalt  }
0x76: {  	_ =	shalt  }
0x77: {  	_ =	shalt  }
0x78: {  	_ =	shalt  }
0x79: {  	_ =	shalt  }
0x7a: {  	_ =	shalt  }
0x7b: {  	_ =	shalt  }
0x7c: {  	_ =	shalt  }
0x7d: {  	_ =	shalt  }
0x7e: {  	_ =	shalt  }
0x7f: {  	_ =	shalt  }
0x80: {  	_ =	shalt  }
0x81: {  	_ =	shalt  }
0x82: {  	_ =	shalt  }
0x83: {  	_ =	shalt  }
0x84: {  	_ =	shalt  }
0x85: {  	_ =	shalt  }
0x86: {  	_ =	shalt  }
0x87: {  	_ =	shalt  }
.Lfunc_end0:
.L_simem_size_0:
called_computation_lowered:
.L_overlay_start_0:
0x88: {  	s2 =	sld [smem:$0x3FD9]  }
0x89: {  	s3 =	sld [smem:$0x3FFE];
	_ =	sdelay $0x1  }
0x8a: {  	s1 =	srdreg.scid  }
0x8b: {  	s0 =	sand.u32 $0x1, s1  }
0x8c: {  	s17 =	sshll.u32 s0, $0xA;
	s2 =	sadd.s32 s3, s2  }
0x8d: {  	s2 =	sadd.s32 s2, s17  }
0x8e: {  	[smem:$0x3FC6] =	sst s2  }
0x8f: {  	_ = 	snop  }
0x90: {  	s2 =	sld [smem:$0x3FC8]  }
0x91: {  	s18 =	sld [smem:$0x3FD0];
	(tm) =	ssettm $0x1  }
0x92: {  	s4 =	sld [smem:$0x3FFB];
	_ =	sdelay $0x3  }
0x93: {  	_ =	strace s4  }
0x94: {  	s4 =	sld [smem:$0x3FFC];
	_ =	sdelay $0x3  }
0x95: {  	_ =	strace s4  }
0x96: {  	s4 =	sld [smem:$0x3FFD];
	_ =	sdelay $0x3  }
0x97: {  	_ =	strace s4  }
0x98: {  	_ =	strace $0x8FFFFFFF  }
0x99: {  	s19 =	sld [smem:$0x3FDB];
	_ =	sdelay $0x1  }
0x9a: {  	s5 =	simm.s32 $_scs_section_size  }
0x9b: {  	s6 =	simm.s32 $_size__tile_overlayer_lowered;
	s7 =	simm.s32 $_tile_overlayer_lowered  }
0x9c: {  	s22 =	simm.s32 $0x1BFF;
	s21 =	sshll.u32 s7, $0x1;
	s4 =	sadd.s32 s5, s19  }
0x9d: {  	s8 =	simm.s32 $0x0;
	s20 =	sshll.u32 s6, $0x1;
	s6 =	sadd.s32 s21, s4  }
0x9e: {  	[timem:s8], [sflag:s22] =	dma.local [hbm:s6], s20  }
0x9f: {  	_ =	swait.ge [sflag:s22], s20  }
0xa0: {  	s5 =	ssub.s32 $0x0, s20;
	[sflag:s22] =	ssyncset.done $0x0  }
0xa1: {  	[sflag:s22] =	ssyncadd.s32 s5;
	_ =	sdelay $0x1  }
0xa2: {  	s23 =	simm.s32 $0x1B8B  }
0xa3: {  	_ =	swait.ge [sflag:s23], $0x1  }
0xa4: {  	[sflag:s23] =	ssyncset.done $0x0  }
0xa5: {  	s25 =	simm.s32 $0x1B8E;
	s24 =	sld [smem:$0x3FFE];
	[sflag:s23] =	ssyncadd.s32 $0xFFFFFFFF  }
0xa6: {  	s26 =	simm.s32 $execute0_lowered;
	[smem:$0x3FD2] =	sst s25  }
0xa7: {  	s6 =	sshll.u32 s26, $0x1;
	_ =	strace $0x80000046;
	[dreg:$0x1] =	wrdreg $0xFFFFFFFF  }
0xa8: {  	s28 =	simm.s32 $_size_execute0_lowered;
	s4 =	sadd.s32 s4, s6;
	[dreg:$0x0] =	wrdreg $0x0  }
0xa9: {  	s6 =	sshll.u32 s28, $0x1;
	[dreg:$0x2] =	wrdreg s4  }
0xaa: {  	[dreg:$0x3] =	wrdreg s6  }
0xab: {  	[dreg:$0x4] =	wrdreg $0xC0  }
0xac: {  	_ =	task [dreg:s8], $0x5FFFF  }
0xad: {  	[dreg:$0x1] =	wrdreg $0xFFFFFFFF  }
0xae: {  	[dreg:$0x0] =	wrdreg $0x60  }
0xaf: {  	[dreg:$0x2] =	wrdreg s2  }
0xb0: {  	[dreg:$0x3] =	wrdreg s24  }
0xb1: {  	[dreg:$0x4] =	wrdreg s18  }
0xb2: {  	[dreg:$0x5] =	wrdreg $0x9  }
0xb3: {  	_ =	task.clear_ibuf [dreg:s8], $0x6FFFF;
	_ =	strace $0x90000046  }
0xb4: {  	s29 =	simm.s32 $0x9;
	_ =	strace $0x80000048  }
0xb5: {  	_ =	swait.ge [sflag:s29], $0x1  }
0xb6: {  	[sflag:s29] =	ssyncadd.s32 $0xFFFFFFFF  }
0xb7: {  	_ =	strace $0x90000048  }
0xb8: {  	_ =	sfence  }
0xb9: {  	s30 =	sld [smem:$0x0];
	_ =	sdelay $0x2  }
0xba: {  	s31 =	sshll.u32 s1, $0xD;
	s1 =	sshrl.u32 s1, $0x2  }
0xbb: {  	s3 =	sand.u32 $0x4000, s31;
	s1 =	sadd.s32 s1, s30  }
0xbc: {  	s0 =	sor.u32 s3, s0;
	s1 =	sshll.u32 s1, $0x11  }
0xbd: {  	s0 =	sor.u32 s1, s0  }
0xbe: {  	s0 =	sadd.s32 $0x8F2B, s0  }
0xbf: {  	[sflag:s0] =	ssyncadd.remote.s32 $0x1  }
0xc0: {  	_ =	sfence.sel $0xFFFF  }
0xc1: {  	[dreg:$0x0] =	wrdreg $0xFFFFFFFF;
	(pc) =	sbr.abs _section_cstart, $3  }
0xc2: {  	[dreg:$0x1] =	wrdreg $0xFFFFFFFF  }
0xc3: {  	_ =	task.clear_ibuf [dreg:s8], $0x2FFFF;
	_ =	strace $0x9FFFFFFF  }
0xc4: {  	(tm) =	ssettm $0x7FFFFFFF  }
0xc5: {  	_ =	shalt  }
tec
execute0_lowered:
.L_overlay_start_1:
0x0: {  	(tag) =	ssettag $0x1  }
0x1: {  	s1 =	rddreg [dreg:$0x0]  }
0x2: {  	s6 =	rddreg [dreg:$0x1]  }
0x3: {  	s2 =	srdreg.scid;
	s0 =	stileid.u32  }
0x4: {  	s3 =	rddreg [dreg:$0x2];
	s4 =	simm.s32 $0x0;
	s12 =	simm.s32 $0x3  }
0x5: {  	s13 =	simm.s32 $0x80;
	s14 =	simm.s32 $0x1C00;
	s15 =	simm.s32 $0x5C00  }
0x6: {  	s16 =	simm.s32 $0x100;
	s17 =	simm.s32 $0x9C00;
	s18 =	simm.s32 $0x180  }
0x7: {  	s19 =	simm.s32 $0xDC00;
	s5 =	sand.u32 $0x1, s2;
	s7 =	sshll.u32 s0, $0x1  }
0x8: {  	s20 =	simm.s32 $0x1;
	s21 =	simm.s32 $0x11C00;
	s7 =	sor.u32 s5, s7  }
0x9: {  	s22 =	simm.s32 $0x2;
	s23 =	simm.s32 $0x0;
	s8 =	smul.u32 $0x380, s7  }
.Ltmp0:
0xa: {  	s2 =	rddreg [dreg:$0x3];
	s9 =	ssub.s32 $0x2, s5;
	(pc) =	sbr.rel .LBB2_1-.Ltmp0, $4  }
0xb: {  	[smem:$0x7FF] =	sst s4;
	s5 =	smul.u32 $0x1900, s7;
	s10 =	sshrl.u32 s9, $0x1  }
0xc: {  	s11 =	ssub.s32 s9, s10;
	s8 =	sadd.s32 s8, s6;
	s6 =	smul.u32 $0xC8000, s7  }
0xd: {  	_ =	strace $0x80000047;
	s11 =	smax.u32 s11, $0x1;
	s7 =	sadd.s32 $0x400, s8  }
0xe: {  	s8 =	sor.u32 $0x80, s5;
	s9 =	sadd.s32 $0x8000, s6;
	s10 =	sadd.s32 $0xC000, s6  }
.LBB2_14:
0xf: {  	s23 =	sadd.s32 $0x1, s23  }
0x10: {  	p0 =	sne.s32 s23, s11  }
.Ltmp1:
0x11: {  	_ = 	snop;
	(pc) =	sbr.rel @!p0 .LBB2_15-.Ltmp1, $4  }
0x12: {  	_ = 	snop  }
0x13: {  	_ =	swait.ge [sflag:s22], $0x4000  }
0x14: {  	[sflag:s22] =	ssyncset.done $0x0  }
0x15: {  	[sflag:s22] =	ssyncadd.s32 $0xFFFFC000  }
.LBB2_1:
0x16: {  	[tilespmem:s4], [sflag:$0x3] =	stream.linear.gather [hbm4b:s7+s4], $0x1900, $0x38;
	[tilespmem:$0x15C00] =	vst v63  }
0x17: {  	_ =	swait.ge [sflag:s12], $0x1900  }
0x18: {  	[sflag:s12] =	ssyncset.done $0x0  }
0x19: {  	[sflag:s12] =	ssyncadd.s32 $0xFFFFE700  }
0x1a: {  	[tilespmem:s14], [sflag:$0x1] =	stream.indirect.gather [hbm4b:s1+s13], $0x80, s4, s13, $0xb8;
	[tilespmem:$0x15C00] =	vst v63  }
0x1b: {  	_ = 	snop  }
0x1c: {  	[tilespmem:s15], [sflag:$0x1] =	stream.indirect.gather [hbm4b:s1+s13], $0x80, s13, s13, $0xb8;
	[tilespmem:$0x15C00] =	vst v63  }
0x1d: {  	_ = 	snop  }
0x1e: {  	[tilespmem:s17], [sflag:$0x1] =	stream.indirect.gather [hbm4b:s1+s13], $0x80, s16, s13, $0xb8;
	[tilespmem:$0x15C00] =	vst v63  }
0x1f: {  	s24 =	simm.s32 $0x0  }
0x20: {  	[tilespmem:s19], [sflag:$0x1] =	stream.indirect.gather [hbm4b:s1+s13], $0x80, s18, s13, $0xb8;
	[tilespmem:$0x15C00] =	vst v63  }
.LBB2_2:
0x21: {  	_ =	swait.ge [sflag:s20], $0x4000  }
0x22: {  	[sflag:s20] =	ssyncset.done $0x0  }
0x23: {  	s25 =	simm.s32 $0x1D00;
	[sflag:s20] =	ssyncadd.s32 $0xFFFFC000  }
0x24: {  	v0 =	vld [tilespmem:s25+$0xF0]  }
0x25: {  	v1 =	vld [tilespmem:s25+$0xFFFFFF10]  }
0x26: {  	v2 =	vld [tilespmem:s25+$0xFFFFFF20]  }
0x27: {  	v3 =	vld [tilespmem:s25+$0xFFFFFF30]  }
0x28: {  	v6 =	vld [tilespmem:s25+$0xFFFFFF60]  }
0x29: {  	v4 =	vld [tilespmem:s25+$0xFFFFFF40]  }
0x2a: {  	v5 =	vld [tilespmem:s25+$0xFFFFFF50];
	v0 =	vmul.f32 $1.131370830e+01, v0  }
0x2b: {  	v8 =	vld [tilespmem:s25+$0xFFFFFF80];
	v1 =	vmul.f32 $1.131370830e+01, v1  }
0x2c: {  	v7 =	vld [tilespmem:s25+$0xFFFFFF70];
	v2 =	vmul.f32 $1.131370830e+01, v2;
	[tilespmem:s25+$0xF0] =	vst v0  }
0x2d: {  	v6 =	vmul.f32 $1.131370830e+01, v6;
	v0 =	vld [tilespmem:s25+$0xFFFFFF90];
	[tilespmem:s25+$0xFFFFFF10] =	vst v1  }
0x2e: {  	v1 =	vmul.f32 $1.131370830e+01, v3;
	v3 =	vld [tilespmem:s25+$0xFFFFFFA0];
	[tilespmem:s25+$0xFFFFFF20] =	vst v2;
	v2 =	vmul.f32 $1.131370830e+01, v4  }
0x2f: {  	[tilespmem:s25+$0xFFFFFF60] =	vst v6;
	v6 =	vld [tilespmem:s25+$0xFFFFFFF0]  }
0x30: {  	v4 =	vld [tilespmem:s25+$0xFFFFFFB0];
	[tilespmem:s25+$0xFFFFFF40] =	vst v2;
	v2 =	vmul.f32 $1.131370830e+01, v8  }
0x31: {  	[tilespmem:s25+$0xFFFFFF30] =	vst v1;
	v1 =	vmul.f32 $1.131370830e+01, v5;
	v5 =	vld [tilespmem:s25+$0xFFFFFFC0]  }
0x32: {  	v8 =	vld [tilespmem:s25+$0xFFFFFFD0];
	[tilespmem:s25+$0xFFFFFF80] =	vst v2;
	v2 =	vmul.f32 $1.131370830e+01, v7  }
0x33: {  	[tilespmem:s25+$0xFFFFFF50] =	vst v1;
	v1 =	vld [tilespmem:s25+$0xFFFFFFE0];
	v0 =	vmul.f32 $1.131370830e+01, v0  }
0x34: {  	v7 =	vld [tilespmem:s25+$0x30];
	v6 =	vmul.f32 $1.131370830e+01, v6;
	[tilespmem:s25+$0xFFFFFF70] =	vst v2  }
0x35: {  	v2 =	vmul.f32 $1.131370830e+01, v3;
	v3 =	vld [tilespmem:s25+$0x0];
	[tilespmem:s25+$0xFFFFFF90] =	vst v0  }
0x36: {  	v0 =	vmul.f32 $1.131370830e+01, v4;
	v4 =	vld [tilespmem:s25+$0x10];
	[tilespmem:s25+$0xFFFFFFF0] =	vst v6  }
0x37: {  	[tilespmem:s25+$0xFFFFFFA0] =	vst v2;
	v2 =	vmul.f32 $1.131370830e+01, v5;
	v5 =	vld [tilespmem:s25+$0x20]  }
0x38: {  	v6 =	vld [tilespmem:s25+$0x80];
	[tilespmem:s25+$0xFFFFFFB0] =	vst v0;
	v0 =	vmul.f32 $1.131370830e+01, v8  }
0x39: {  	v1 =	vmul.f32 $1.131370830e+01, v1;
	[tilespmem:s25+$0xFFFFFFC0] =	vst v2;
	v2 =	vld [tilespmem:s25+$0x40]  }
0x3a: {  	[tilespmem:s25+$0xFFFFFFD0] =	vst v0;
	v0 =	vmul.f32 $1.131370830e+01, v3  }
0x3b: {  	v3 =	vld [tilespmem:s25+$0x50];
	[tilespmem:s25+$0xFFFFFFE0] =	vst v1;
	v4 =	vmul.f32 $1.131370830e+01, v4  }
0x3c: {  	v1 =	vld [tilespmem:s25+$0x60];
	[tilespmem:s25+$0x0] =	vst v0;
	v0 =	vmul.f32 $1.131370830e+01, v5  }
0x3d: {  	v6 =	vmul.f32 $1.131370830e+01, v6;
	v5 =	vld [tilespmem:s25+$0x70];
	[tilespmem:s25+$0x10] =	vst v4  }
0x3e: {  	v4 =	vmul.f32 $1.131370830e+01, v7;
	v7 =	vld [tilespmem:s25+$0x90];
	[tilespmem:s25+$0x20] =	vst v0;
	v0 =	vmul.f32 $1.131370830e+01, v2  }
0x3f: {  	v8 =	vld [tilespmem:s25+$0xA0];
	[tilespmem:s25+$0x80] =	vst v6  }
0x40: {  	v2 =	vmul.f32 $1.131370830e+01, v3;
	[tilespmem:s25+$0x40] =	vst v0;
	v0 =	vld [tilespmem:s25+$0xB0]  }
0x41: {  	[tilespmem:s25+$0x30] =	vst v4;
	v3 =	vmul.f32 $1.131370830e+01, v1;
	v1 =	vld [tilespmem:s25+$0xC0]  }
0x42: {  	[tilespmem:s25+$0x50] =	vst v2;
	v4 =	vmul.f32 $1.131370830e+01, v5;
	v2 =	vld [tilespmem:s25+$0xD0]  }
0x43: {  	[tilespmem:s25+$0x60] =	vst v3;
	v3 =	vld [tilespmem:s25+$0xE0];
	v5 =	vmul.f32 $1.131370830e+01, v7  }
0x44: {  	s26 =	simm.s32 $0x0;
	s28 =	simm.s32 $0x1F00;
	v6 =	vmul.f32 $1.131370830e+01, v8;
	[tilespmem:s25+$0x70] =	vst v4;
	v4 =	vld [tilespmem:s25+$0xFFFFFF00]  }
.LBB2_3:
0x45: {  	v7 =	vld [tilespmem:s28+$0xF0];
	s26 =	sadd.s32 $0x4, s26;
	[tilespmem:s25+$0x90] =	vst v5;
	v0 =	vmul.f32 $1.131370830e+01, v0  }
0x46: {  	v5 =	vld [tilespmem:s28+$0xFFFFFF10];
	p0 =	slt.u32 s26, $0x7C;
	[tilespmem:s25+$0xA0] =	vst v6;
	v1 =	vmul.f32 $1.131370830e+01, v1  }
0x47: {  	v6 =	vld [tilespmem:s28+$0xFFFFFF20];
	[tilespmem:s25+$0xB0] =	vst v0;
	v0 =	vmul.f32 $1.131370830e+01, v2  }
0x48: {  	v2 =	vld [tilespmem:s28+$0xFFFFFF30];
	[tilespmem:s25+$0xC0] =	vst v1;
	v1 =	vmul.f32 $1.131370830e+01, v3  }
0x49: {  	v3 =	vld [tilespmem:s28+$0xFFFFFF40];
	v4 =	vmul.f32 $1.131370830e+01, v4;
	[tilespmem:s25+$0xD0] =	vst v0  }
0x4a: {  	v0 =	vld [tilespmem:s28+$0xFFFFFF50];
	v7 =	vmul.f32 $1.131370830e+01, v7;
	[tilespmem:s25+$0xE0] =	vst v1  }
0x4b: {  	v1 =	vmul.f32 $1.131370830e+01, v5;
	v5 =	vld [tilespmem:s28+$0xFFFFFF60];
	[tilespmem:s25+$0xFFFFFF00] =	vst v4;
	s25 =	smov.u32 s28  }
0x4c: {  	v4 =	vmul.f32 $1.131370830e+01, v6;
	v6 =	vld [tilespmem:s28+$0xFFFFFF70];
	[tilespmem:s28+$0xF0] =	vst v7  }
0x4d: {  	[tilespmem:s28+$0xFFFFFF10] =	vst v1;
	v1 =	vmul.f32 $1.131370830e+01, v2;
	v2 =	vld [tilespmem:s28+$0xFFFFFF80]  }
0x4e: {  	[tilespmem:s28+$0xFFFFFF20] =	vst v4;
	v3 =	vmul.f32 $1.131370830e+01, v3;
	v4 =	vld [tilespmem:s28+$0xFFFFFF90]  }
0x4f: {  	[tilespmem:s28+$0xFFFFFF30] =	vst v1;
	v0 =	vmul.f32 $1.131370830e+01, v0;
	v1 =	vld [tilespmem:s28+$0xFFFFFFA0]  }
0x50: {  	[tilespmem:s28+$0xFFFFFF40] =	vst v3;
	v3 =	vmul.f32 $1.131370830e+01, v5;
	v5 =	vld [tilespmem:s28+$0xFFFFFFB0]  }
0x51: {  	[tilespmem:s28+$0xFFFFFF50] =	vst v0;
	v0 =	vmul.f32 $1.131370830e+01, v6;
	v6 =	vld [tilespmem:s28+$0xFFFFFFC0]  }
0x52: {  	[tilespmem:s28+$0xFFFFFF60] =	vst v3;
	v2 =	vmul.f32 $1.131370830e+01, v2;
	v3 =	vld [tilespmem:s28+$0xFFFFFFD0]  }
0x53: {  	[tilespmem:s28+$0xFFFFFF70] =	vst v0;
	v0 =	vmul.f32 $1.131370830e+01, v4;
	v4 =	vld [tilespmem:s28+$0xFFFFFFE0]  }
0x54: {  	[tilespmem:s28+$0xFFFFFF80] =	vst v2;
	v1 =	vmul.f32 $1.131370830e+01, v1;
	v2 =	vld [tilespmem:s28+$0xFFFFFFF0]  }
0x55: {  	[tilespmem:s28+$0xFFFFFF90] =	vst v0;
	v0 =	vmul.f32 $1.131370830e+01, v5;
	v5 =	vld [tilespmem:s28+$0x0]  }
0x56: {  	[tilespmem:s28+$0xFFFFFFA0] =	vst v1;
	v1 =	vmul.f32 $1.131370830e+01, v6;
	v6 =	vld [tilespmem:s28+$0x10]  }
0x57: {  	[tilespmem:s28+$0xFFFFFFB0] =	vst v0;
	v0 =	vmul.f32 $1.131370830e+01, v3;
	v3 =	vld [tilespmem:s28+$0x20]  }
0x58: {  	[tilespmem:s28+$0xFFFFFFC0] =	vst v1;
	v1 =	vmul.f32 $1.131370830e+01, v4;
	v4 =	vld [tilespmem:s28+$0x30]  }
0x59: {  	[tilespmem:s28+$0xFFFFFFD0] =	vst v0;
	v0 =	vmul.f32 $1.131370830e+01, v2;
	v2 =	vld [tilespmem:s28+$0x40]  }
0x5a: {  	[tilespmem:s28+$0xFFFFFFE0] =	vst v1;
	v1 =	vmul.f32 $1.131370830e+01, v5;
	v5 =	vld [tilespmem:s28+$0x50]  }
0x5b: {  	[tilespmem:s28+$0xFFFFFFF0] =	vst v0;
	v0 =	vmul.f32 $1.131370830e+01, v6;
	v6 =	vld [tilespmem:s28+$0x60]  }
0x5c: {  	[tilespmem:s28+$0x0] =	vst v1;
	v1 =	vmul.f32 $1.131370830e+01, v3;
	v3 =	vld [tilespmem:s28+$0x70]  }
0x5d: {  	[tilespmem:s28+$0x10] =	vst v0;
	v0 =	vmul.f32 $1.131370830e+01, v4;
	v4 =	vld [tilespmem:s28+$0x80]  }
0x5e: {  	[tilespmem:s28+$0x20] =	vst v1;
	v1 =	vmul.f32 $1.131370830e+01, v2;
	v7 =	vld [tilespmem:s28+$0x90]  }
0x5f: {  	[tilespmem:s28+$0x30] =	vst v0;
	v2 =	vmul.f32 $1.131370830e+01, v5;
	v8 =	vld [tilespmem:s28+$0xA0]  }
.Ltmp2:
0x60: {  	[tilespmem:s28+$0x40] =	vst v1;
	v5 =	vmul.f32 $1.131370830e+01, v6;
	v0 =	vld [tilespmem:s28+$0xB0];
	(pc) =	sbr.rel @p0 .LBB2_3-.Ltmp2, $4  }
0x61: {  	[tilespmem:s28+$0x50] =	vst v2;
	v3 =	vmul.f32 $1.131370830e+01, v3;
	v1 =	vld [tilespmem:s28+$0xC0]  }
0x62: {  	[tilespmem:s28+$0x60] =	vst v5;
	v6 =	vmul.f32 $1.131370830e+01, v4;
	v2 =	vld [tilespmem:s28+$0xD0]  }
0x63: {  	[tilespmem:s28+$0x70] =	vst v3;
	v5 =	vmul.f32 $1.131370830e+01, v7;
	v3 =	vld [tilespmem:s28+$0xE0]  }
0x64: {  	s28 =	sadd.s32 $0x200, s28;
	v4 =	vld [tilespmem:s25+$0xFFFFFF00];
	[tilespmem:s25+$0x80] =	vst v6;
	v6 =	vmul.f32 $1.131370830e+01, v8  }
0x65: {  	[tilespmem:s25+$0x90] =	vst v5;
	v0 =	vmul.f32 $1.131370830e+01, v0  }
0x66: {  	[tilespmem:s25+$0xA0] =	vst v6;
	v1 =	vmul.f32 $1.131370830e+01, v1  }
0x67: {  	[tilespmem:s25+$0xB0] =	vst v0;
	v0 =	vmul.f32 $1.131370830e+01, v2  }
0x68: {  	[tilespmem:s25+$0xC0] =	vst v1;
	v1 =	vmul.f32 $1.131370830e+01, v3  }
0x69: {  	v2 =	vmul.f32 $1.131370830e+01, v4;
	[tilespmem:s25+$0xD0] =	vst v0  }
0x6a: {  	p0 =	seq.s32 s24, $0x0;
	s26 =	smul.u32 $0x280, s24;
	[tilespmem:s25+$0xE0] =	vst v1  }
0x6b: {  	[tilespmem:s25+$0xFFFFFF00] =	vst v2;
	s25 =	simm.s32 @!p0 $0x2  }
0x6c: {  	s29 =	smul.u32 $0x5, s24;
	s28 =	sadd.s32 s5, s26;
	_ =	swait.ge @!p0 [sflag:s25], $0x4000  }
0x6d: {  	s28 =	sshll.u32 s28, $0x4;
	[sflag:s25] =	ssyncset.done @!p0 $0x0  }
0x6e: {  	s31 =	sadd.s32 s3, s28;
	[sflag:s25] =	ssyncadd.s32 @!p0 $0xFFFFC000;
	s25 =	sadd.s32 $0x4, s29  }
0x6f: {  	[hbm4b:s31+s4] =	stream.linear.scatter [tilespmem:s14], [sflag:$0x2], $0x4000, $0x38;
	[tilespmem:$0x15C00] =	vst v63  }
0x70: {  	s28 =	sshll.u32 s25, $0x7  }
0x71: {  	s28 =	sand.u32 $0x3FFFFF80, s28  }
0x72: {  	[tilespmem:s21], [sflag:$0x1] =	stream.indirect.gather [hbm4b:s1+s13], $0x80, s28, s13, $0xb8;
	[tilespmem:$0x15C00] =	vst v63  }
0x73: {  	_ =	swait.ge [sflag:s20], $0x4000  }
0x74: {  	[sflag:s20] =	ssyncset.done $0x0  }
0x75: {  	s28 =	simm.s32 $0x5D00;
	[sflag:s20] =	ssyncadd.s32 $0xFFFFC000  }
0x76: {  	v0 =	vld [tilespmem:s28+$0xF0]  }
0x77: {  	v1 =	vld [tilespmem:s28+$0xFFFFFF10]  }
0x78: {  	v2 =	vld [tilespmem:s28+$0xFFFFFF20]  }
0x79: {  	v3 =	vld [tilespmem:s28+$0xFFFFFF30]  }
0x7a: {  	v6 =	vld [tilespmem:s28+$0xFFFFFF60]  }
0x7b: {  	v4 =	vld [tilespmem:s28+$0xFFFFFF40]  }
0x7c: {  	v5 =	vld [tilespmem:s28+$0xFFFFFF50];
	v0 =	vmul.f32 $1.131370830e+01, v0  }
0x7d: {  	v8 =	vld [tilespmem:s28+$0xFFFFFF80];
	v1 =	vmul.f32 $1.131370830e+01, v1  }
0x7e: {  	v7 =	vld [tilespmem:s28+$0xFFFFFF70];
	v2 =	vmul.f32 $1.131370830e+01, v2;
	[tilespmem:s28+$0xF0] =	vst v0  }
0x7f: {  	v6 =	vmul.f32 $1.131370830e+01, v6;
	v0 =	vld [tilespmem:s28+$0xFFFFFF90];
	[tilespmem:s28+$0xFFFFFF10] =	vst v1  }
0x80: {  	v1 =	vmul.f32 $1.131370830e+01, v3;
	v3 =	vld [tilespmem:s28+$0xFFFFFFA0];
	[tilespmem:s28+$0xFFFFFF20] =	vst v2;
	v2 =	vmul.f32 $1.131370830e+01, v4  }
0x81: {  	[tilespmem:s28+$0xFFFFFF60] =	vst v6;
	v6 =	vld [tilespmem:s28+$0xFFFFFFF0]  }
0x82: {  	v4 =	vld [tilespmem:s28+$0xFFFFFFB0];
	[tilespmem:s28+$0xFFFFFF40] =	vst v2;
	v2 =	vmul.f32 $1.131370830e+01, v8  }
0x83: {  	[tilespmem:s28+$0xFFFFFF30] =	vst v1;
	v1 =	vmul.f32 $1.131370830e+01, v5;
	v5 =	vld [tilespmem:s28+$0xFFFFFFC0]  }
0x84: {  	v8 =	vld [tilespmem:s28+$0xFFFFFFD0];
	[tilespmem:s28+$0xFFFFFF80] =	vst v2;
	v2 =	vmul.f32 $1.131370830e+01, v7  }
0x85: {  	[tilespmem:s28+$0xFFFFFF50] =	vst v1;
	v1 =	vld [tilespmem:s28+$0xFFFFFFE0];
	v0 =	vmul.f32 $1.131370830e+01, v0  }
0x86: {  	v7 =	vld [tilespmem:s28+$0x30];
	v6 =	vmul.f32 $1.131370830e+01, v6;
	[tilespmem:s28+$0xFFFFFF70] =	vst v2  }
0x87: {  	v2 =	vmul.f32 $1.131370830e+01, v3;
	v3 =	vld [tilespmem:s28+$0x0];
	[tilespmem:s28+$0xFFFFFF90] =	vst v0  }
0x88: {  	v0 =	vmul.f32 $1.131370830e+01, v4;
	v4 =	vld [tilespmem:s28+$0x10];
	[tilespmem:s28+$0xFFFFFFF0] =	vst v6  }
0x89: {  	[tilespmem:s28+$0xFFFFFFA0] =	vst v2;
	v2 =	vmul.f32 $1.131370830e+01, v5;
	v5 =	vld [tilespmem:s28+$0x20]  }
0x8a: {  	v6 =	vld [tilespmem:s28+$0x80];
	[tilespmem:s28+$0xFFFFFFB0] =	vst v0;
	v0 =	vmul.f32 $1.131370830e+01, v8  }
0x8b: {  	v1 =	vmul.f32 $1.131370830e+01, v1;
	[tilespmem:s28+$0xFFFFFFC0] =	vst v2;
	v2 =	vld [tilespmem:s28+$0x40]  }
0x8c: {  	[tilespmem:s28+$0xFFFFFFD0] =	vst v0;
	v0 =	vmul.f32 $1.131370830e+01, v3  }
0x8d: {  	v3 =	vld [tilespmem:s28+$0x50];
	[tilespmem:s28+$0xFFFFFFE0] =	vst v1;
	v4 =	vmul.f32 $1.131370830e+01, v4  }
0x8e: {  	v1 =	vld [tilespmem:s28+$0x60];
	[tilespmem:s28+$0x0] =	vst v0;
	v0 =	vmul.f32 $1.131370830e+01, v5  }
0x8f: {  	v6 =	vmul.f32 $1.131370830e+01, v6;
	v5 =	vld [tilespmem:s28+$0x70];
	[tilespmem:s28+$0x10] =	vst v4  }
0x90: {  	v4 =	vmul.f32 $1.131370830e+01, v7;
	v7 =	vld [tilespmem:s28+$0x90];
	[tilespmem:s28+$0x20] =	vst v0;
	v0 =	vmul.f32 $1.131370830e+01, v2  }
0x91: {  	v8 =	vld [tilespmem:s28+$0xA0];
	[tilespmem:s28+$0x80] =	vst v6  }
0x92: {  	v2 =	vmul.f32 $1.131370830e+01, v3;
	[tilespmem:s28+$0x40] =	vst v0;
	v0 =	vld [tilespmem:s28+$0xB0]  }
0x93: {  	[tilespmem:s28+$0x30] =	vst v4;
	v3 =	vmul.f32 $1.131370830e+01, v1;
	v1 =	vld [tilespmem:s28+$0xC0]  }
0x94: {  	[tilespmem:s28+$0x50] =	vst v2;
	v4 =	vmul.f32 $1.131370830e+01, v5;
	v2 =	vld [tilespmem:s28+$0xD0]  }
0x95: {  	[tilespmem:s28+$0x60] =	vst v3;
	v3 =	vld [tilespmem:s28+$0xE0];
	v5 =	vmul.f32 $1.131370830e+01, v7  }
0x96: {  	s30 =	simm.s32 $0x5F00;
	s29 =	simm.s32 $0x0;
	v6 =	vmul.f32 $1.131370830e+01, v8;
	[tilespmem:s28+$0x70] =	vst v4;
	v4 =	vld [tilespmem:s28+$0xFFFFFF00]  }
.LBB2_5:
0x97: {  	v7 =	vld [tilespmem:s30+$0xF0];
	s29 =	sadd.s32 $0x4, s29;
	[tilespmem:s28+$0x90] =	vst v5;
	v0 =	vmul.f32 $1.131370830e+01, v0  }
0x98: {  	v5 =	vld [tilespmem:s30+$0xFFFFFF10];
	p0 =	slt.u32 s29, $0x7C;
	[tilespmem:s28+$0xA0] =	vst v6;
	v1 =	vmul.f32 $1.131370830e+01, v1  }
0x99: {  	v6 =	vld [tilespmem:s30+$0xFFFFFF20];
	[tilespmem:s28+$0xB0] =	vst v0;
	v0 =	vmul.f32 $1.131370830e+01, v2  }
0x9a: {  	v2 =	vld [tilespmem:s30+$0xFFFFFF30];
	[tilespmem:s28+$0xC0] =	vst v1;
	v1 =	vmul.f32 $1.131370830e+01, v3  }
0x9b: {  	v3 =	vld [tilespmem:s30+$0xFFFFFF40];
	v4 =	vmul.f32 $1.131370830e+01, v4;
	[tilespmem:s28+$0xD0] =	vst v0  }
0x9c: {  	v0 =	vld [tilespmem:s30+$0xFFFFFF50];
	v7 =	vmul.f32 $1.131370830e+01, v7;
	[tilespmem:s28+$0xE0] =	vst v1  }
0x9d: {  	v1 =	vmul.f32 $1.131370830e+01, v5;
	v5 =	vld [tilespmem:s30+$0xFFFFFF60];
	[tilespmem:s28+$0xFFFFFF00] =	vst v4;
	s28 =	smov.u32 s30  }
0x9e: {  	v4 =	vmul.f32 $1.131370830e+01, v6;
	v6 =	vld [tilespmem:s30+$0xFFFFFF70];
	[tilespmem:s30+$0xF0] =	vst v7  }
0x9f: {  	[tilespmem:s30+$0xFFFFFF10] =	vst v1;
	v1 =	vmul.f32 $1.131370830e+01, v2;
	v2 =	vld [tilespmem:s30+$0xFFFFFF80]  }
0xa0: {  	[tilespmem:s30+$0xFFFFFF20] =	vst v4;
	v3 =	vmul.f32 $1.131370830e+01, v3;
	v4 =	vld [tilespmem:s30+$0xFFFFFF90]  }
0xa1: {  	[tilespmem:s30+$0xFFFFFF30] =	vst v1;
	v0 =	vmul.f32 $1.131370830e+01, v0;
	v1 =	vld [tilespmem:s30+$0xFFFFFFA0]  }
0xa2: {  	[tilespmem:s30+$0xFFFFFF40] =	vst v3;
	v3 =	vmul.f32 $1.131370830e+01, v5;
	v5 =	vld [tilespmem:s30+$0xFFFFFFB0]  }
0xa3: {  	[tilespmem:s30+$0xFFFFFF50] =	vst v0;
	v0 =	vmul.f32 $1.131370830e+01, v6;
	v6 =	vld [tilespmem:s30+$0xFFFFFFC0]  }
0xa4: {  	[tilespmem:s30+$0xFFFFFF60] =	vst v3;
	v2 =	vmul.f32 $1.131370830e+01, v2;
	v3 =	vld [tilespmem:s30+$0xFFFFFFD0]  }
0xa5: {  	[tilespmem:s30+$0xFFFFFF70] =	vst v0;
	v0 =	vmul.f32 $1.131370830e+01, v4;
	v4 =	vld [tilespmem:s30+$0xFFFFFFE0]  }
0xa6: {  	[tilespmem:s30+$0xFFFFFF80] =	vst v2;
	v1 =	vmul.f32 $1.131370830e+01, v1;
	v2 =	vld [tilespmem:s30+$0xFFFFFFF0]  }
0xa7: {  	[tilespmem:s30+$0xFFFFFF90] =	vst v0;
	v0 =	vmul.f32 $1.131370830e+01, v5;
	v5 =	vld [tilespmem:s30+$0x0]  }
0xa8: {  	[tilespmem:s30+$0xFFFFFFA0] =	vst v1;
	v1 =	vmul.f32 $1.131370830e+01, v6;
	v6 =	vld [tilespmem:s30+$0x10]  }
0xa9: {  	[tilespmem:s30+$0xFFFFFFB0] =	vst v0;
	v0 =	vmul.f32 $1.131370830e+01, v3;
	v3 =	vld [tilespmem:s30+$0x20]  }
0xaa: {  	[tilespmem:s30+$0xFFFFFFC0] =	vst v1;
	v1 =	vmul.f32 $1.131370830e+01, v4;
	v4 =	vld [tilespmem:s30+$0x30]  }
0xab: {  	[tilespmem:s30+$0xFFFFFFD0] =	vst v0;
	v0 =	vmul.f32 $1.131370830e+01, v2;
	v2 =	vld [tilespmem:s30+$0x40]  }
0xac: {  	[tilespmem:s30+$0xFFFFFFE0] =	vst v1;
	v1 =	vmul.f32 $1.131370830e+01, v5;
	v5 =	vld [tilespmem:s30+$0x50]  }
0xad: {  	[tilespmem:s30+$0xFFFFFFF0] =	vst v0;
	v0 =	vmul.f32 $1.131370830e+01, v6;
	v6 =	vld [tilespmem:s30+$0x60]  }
0xae: {  	[tilespmem:s30+$0x0] =	vst v1;
	v1 =	vmul.f32 $1.131370830e+01, v3;
	v3 =	vld [tilespmem:s30+$0x70]  }
0xaf: {  	[tilespmem:s30+$0x10] =	vst v0;
	v0 =	vmul.f32 $1.131370830e+01, v4;
	v4 =	vld [tilespmem:s30+$0x80]  }
0xb0: {  	[tilespmem:s30+$0x20] =	vst v1;
	v1 =	vmul.f32 $1.131370830e+01, v2;
	v7 =	vld [tilespmem:s30+$0x90]  }
0xb1: {  	[tilespmem:s30+$0x30] =	vst v0;
	v2 =	vmul.f32 $1.131370830e+01, v5;
	v8 =	vld [tilespmem:s30+$0xA0]  }
.Ltmp3:
0xb2: {  	[tilespmem:s30+$0x40] =	vst v1;
	v5 =	vmul.f32 $1.131370830e+01, v6;
	v0 =	vld [tilespmem:s30+$0xB0];
	(pc) =	sbr.rel @p0 .LBB2_5-.Ltmp3, $4  }
0xb3: {  	[tilespmem:s30+$0x50] =	vst v2;
	v3 =	vmul.f32 $1.131370830e+01, v3;
	v1 =	vld [tilespmem:s30+$0xC0]  }
0xb4: {  	[tilespmem:s30+$0x60] =	vst v5;
	v6 =	vmul.f32 $1.131370830e+01, v4;
	v2 =	vld [tilespmem:s30+$0xD0]  }
0xb5: {  	[tilespmem:s30+$0x70] =	vst v3;
	v5 =	vmul.f32 $1.131370830e+01, v7;
	v3 =	vld [tilespmem:s30+$0xE0]  }
0xb6: {  	s30 =	sadd.s32 $0x200, s30;
	v4 =	vld [tilespmem:s28+$0xFFFFFF00];
	[tilespmem:s28+$0x80] =	vst v6;
	v6 =	vmul.f32 $1.131370830e+01, v8  }
0xb7: {  	[tilespmem:s28+$0x90] =	vst v5;
	v0 =	vmul.f32 $1.131370830e+01, v0  }
0xb8: {  	[tilespmem:s28+$0xA0] =	vst v6;
	v1 =	vmul.f32 $1.131370830e+01, v1  }
0xb9: {  	[tilespmem:s28+$0xB0] =	vst v0;
	v0 =	vmul.f32 $1.131370830e+01, v2  }
0xba: {  	[tilespmem:s28+$0xC0] =	vst v1;
	v1 =	vmul.f32 $1.131370830e+01, v3  }
0xbb: {  	v2 =	vmul.f32 $1.131370830e+01, v4;
	[tilespmem:s28+$0xD0] =	vst v0  }
0xbc: {  	[tilespmem:s28+$0xE0] =	vst v1  }
0xbd: {  	[tilespmem:s28+$0xFFFFFF00] =	vst v2  }
0xbe: {  	s26 =	sadd.s32 s26, s8;
	_ =	swait.ge [sflag:s22], $0x4000  }
0xbf: {  	p0 =	seq.s32 s24, $0x9;
	s26 =	sshll.u32 s26, $0x4;
	[sflag:s22] =	ssyncset.done $0x0  }
0xc0: {  	s26 =	sadd.s32 s3, s26;
	s28 =	smul.u32 @!p0 $0xA00, s24;
	[sflag:s22] =	ssyncadd.s32 $0xFFFFC000  }
0xc1: {  	[hbm4b:s26+s4] =	stream.linear.scatter [tilespmem:s15], [sflag:$0x2], $0x4000, $0x38;
	[tilespmem:$0x15C00] =	vst v63  }
0xc2: {  	s26 =	sshra.s32 @!p0 s28, $0x2  }
0xc3: {  	s29 =	simm.s32 @!p0 $0x80;
	s30 =	simm.s32 @!p0 $0x1C00;
	s28 =	sadd.s32 @!p0 $0x280, s26  }
0xc4: {  	[tilespmem:s30], [sflag:$0x1] =	stream.indirect.gather @!p0 [hbm4b:s1+s29], $0x80, s28, s29, $0xb8;
	[tilespmem:$0x15C00] =	vst v63  }
0xc5: {  	_ =	swait.ge [sflag:s20], $0x4000  }
0xc6: {  	[sflag:s20] =	ssyncset.done $0x0  }
0xc7: {  	s29 =	simm.s32 $0x9D00;
	[sflag:s20] =	ssyncadd.s32 $0xFFFFC000  }
0xc8: {  	v0 =	vld [tilespmem:s29+$0xF0]  }
0xc9: {  	v1 =	vld [tilespmem:s29+$0xFFFFFF10]  }
0xca: {  	v2 =	vld [tilespmem:s29+$0xFFFFFF20]  }
0xcb: {  	v3 =	vld [tilespmem:s29+$0xFFFFFF30]  }
0xcc: {  	v6 =	vld [tilespmem:s29+$0xFFFFFF60]  }
0xcd: {  	v4 =	vld [tilespmem:s29+$0xFFFFFF40]  }
0xce: {  	v5 =	vld [tilespmem:s29+$0xFFFFFF50];
	v0 =	vmul.f32 $1.131370830e+01, v0  }
0xcf: {  	v8 =	vld [tilespmem:s29+$0xFFFFFF80];
	v1 =	vmul.f32 $1.131370830e+01, v1  }
0xd0: {  	v7 =	vld [tilespmem:s29+$0xFFFFFF70];
	v2 =	vmul.f32 $1.131370830e+01, v2;
	[tilespmem:s29+$0xF0] =	vst v0  }
0xd1: {  	v6 =	vmul.f32 $1.131370830e+01, v6;
	v0 =	vld [tilespmem:s29+$0xFFFFFF90];
	[tilespmem:s29+$0xFFFFFF10] =	vst v1  }
0xd2: {  	v1 =	vmul.f32 $1.131370830e+01, v3;
	v3 =	vld [tilespmem:s29+$0xFFFFFFA0];
	[tilespmem:s29+$0xFFFFFF20] =	vst v2;
	v2 =	vmul.f32 $1.131370830e+01, v4  }
0xd3: {  	[tilespmem:s29+$0xFFFFFF60] =	vst v6;
	v6 =	vld [tilespmem:s29+$0xFFFFFFF0]  }
0xd4: {  	v4 =	vld [tilespmem:s29+$0xFFFFFFB0];
	[tilespmem:s29+$0xFFFFFF40] =	vst v2;
	v2 =	vmul.f32 $1.131370830e+01, v8  }
0xd5: {  	[tilespmem:s29+$0xFFFFFF30] =	vst v1;
	v1 =	vmul.f32 $1.131370830e+01, v5;
	v5 =	vld [tilespmem:s29+$0xFFFFFFC0]  }
0xd6: {  	v8 =	vld [tilespmem:s29+$0xFFFFFFD0];
	[tilespmem:s29+$0xFFFFFF80] =	vst v2;
	v2 =	vmul.f32 $1.131370830e+01, v7  }
0xd7: {  	[tilespmem:s29+$0xFFFFFF50] =	vst v1;
	v1 =	vld [tilespmem:s29+$0xFFFFFFE0];
	v0 =	vmul.f32 $1.131370830e+01, v0  }
0xd8: {  	v7 =	vld [tilespmem:s29+$0x30];
	v6 =	vmul.f32 $1.131370830e+01, v6;
	[tilespmem:s29+$0xFFFFFF70] =	vst v2  }
0xd9: {  	v2 =	vmul.f32 $1.131370830e+01, v3;
	v3 =	vld [tilespmem:s29+$0x0];
	[tilespmem:s29+$0xFFFFFF90] =	vst v0  }
0xda: {  	v0 =	vmul.f32 $1.131370830e+01, v4;
	v4 =	vld [tilespmem:s29+$0x10];
	[tilespmem:s29+$0xFFFFFFF0] =	vst v6  }
0xdb: {  	[tilespmem:s29+$0xFFFFFFA0] =	vst v2;
	v2 =	vmul.f32 $1.131370830e+01, v5;
	v5 =	vld [tilespmem:s29+$0x20]  }
0xdc: {  	v6 =	vld [tilespmem:s29+$0x80];
	[tilespmem:s29+$0xFFFFFFB0] =	vst v0;
	v0 =	vmul.f32 $1.131370830e+01, v8  }
0xdd: {  	v1 =	vmul.f32 $1.131370830e+01, v1;
	[tilespmem:s29+$0xFFFFFFC0] =	vst v2;
	v2 =	vld [tilespmem:s29+$0x40]  }
0xde: {  	[tilespmem:s29+$0xFFFFFFD0] =	vst v0;
	v0 =	vmul.f32 $1.131370830e+01, v3  }
0xdf: {  	v3 =	vld [tilespmem:s29+$0x50];
	[tilespmem:s29+$0xFFFFFFE0] =	vst v1;
	v4 =	vmul.f32 $1.131370830e+01, v4  }
0xe0: {  	v1 =	vld [tilespmem:s29+$0x60];
	[tilespmem:s29+$0x0] =	vst v0;
	v0 =	vmul.f32 $1.131370830e+01, v5  }
0xe1: {  	v6 =	vmul.f32 $1.131370830e+01, v6;
	v5 =	vld [tilespmem:s29+$0x70];
	[tilespmem:s29+$0x10] =	vst v4  }
0xe2: {  	v4 =	vmul.f32 $1.131370830e+01, v7;
	v7 =	vld [tilespmem:s29+$0x90];
	[tilespmem:s29+$0x20] =	vst v0;
	v0 =	vmul.f32 $1.131370830e+01, v2  }
0xe3: {  	v8 =	vld [tilespmem:s29+$0xA0];
	[tilespmem:s29+$0x80] =	vst v6  }
0xe4: {  	v2 =	vmul.f32 $1.131370830e+01, v3;
	[tilespmem:s29+$0x40] =	vst v0;
	v0 =	vld [tilespmem:s29+$0xB0]  }
0xe5: {  	[tilespmem:s29+$0x30] =	vst v4;
	v3 =	vmul.f32 $1.131370830e+01, v1;
	v1 =	vld [tilespmem:s29+$0xC0]  }
0xe6: {  	[tilespmem:s29+$0x50] =	vst v2;
	v4 =	vmul.f32 $1.131370830e+01, v5;
	v2 =	vld [tilespmem:s29+$0xD0]  }
0xe7: {  	[tilespmem:s29+$0x60] =	vst v3;
	v3 =	vld [tilespmem:s29+$0xE0];
	v5 =	vmul.f32 $1.131370830e+01, v7  }
0xe8: {  	s28 =	simm.s32 $0x0;
	s30 =	simm.s32 $0x9F00;
	v6 =	vmul.f32 $1.131370830e+01, v8;
	[tilespmem:s29+$0x70] =	vst v4;
	v4 =	vld [tilespmem:s29+$0xFFFFFF00]  }
.LBB2_7:
0xe9: {  	v7 =	vld [tilespmem:s30+$0xF0];
	s28 =	sadd.s32 $0x4, s28;
	[tilespmem:s29+$0x90] =	vst v5;
	v0 =	vmul.f32 $1.131370830e+01, v0  }
0xea: {  	v5 =	vld [tilespmem:s30+$0xFFFFFF10];
	p1 =	slt.u32 s28, $0x7C;
	[tilespmem:s29+$0xA0] =	vst v6;
	v1 =	vmul.f32 $1.131370830e+01, v1  }
0xeb: {  	v6 =	vld [tilespmem:s30+$0xFFFFFF20];
	[tilespmem:s29+$0xB0] =	vst v0;
	v0 =	vmul.f32 $1.131370830e+01, v2  }
0xec: {  	v2 =	vld [tilespmem:s30+$0xFFFFFF30];
	[tilespmem:s29+$0xC0] =	vst v1;
	v1 =	vmul.f32 $1.131370830e+01, v3  }
0xed: {  	v3 =	vld [tilespmem:s30+$0xFFFFFF40];
	v4 =	vmul.f32 $1.131370830e+01, v4;
	[tilespmem:s29+$0xD0] =	vst v0  }
0xee: {  	v0 =	vld [tilespmem:s30+$0xFFFFFF50];
	v7 =	vmul.f32 $1.131370830e+01, v7;
	[tilespmem:s29+$0xE0] =	vst v1  }
0xef: {  	v1 =	vmul.f32 $1.131370830e+01, v5;
	v5 =	vld [tilespmem:s30+$0xFFFFFF60];
	[tilespmem:s29+$0xFFFFFF00] =	vst v4;
	s29 =	smov.u32 s30  }
0xf0: {  	v4 =	vmul.f32 $1.131370830e+01, v6;
	v6 =	vld [tilespmem:s30+$0xFFFFFF70];
	[tilespmem:s30+$0xF0] =	vst v7  }
0xf1: {  	[tilespmem:s30+$0xFFFFFF10] =	vst v1;
	v1 =	vmul.f32 $1.131370830e+01, v2;
	v2 =	vld [tilespmem:s30+$0xFFFFFF80]  }
0xf2: {  	[tilespmem:s30+$0xFFFFFF20] =	vst v4;
	v3 =	vmul.f32 $1.131370830e+01, v3;
	v4 =	vld [tilespmem:s30+$0xFFFFFF90]  }
0xf3: {  	[tilespmem:s30+$0xFFFFFF30] =	vst v1;
	v0 =	vmul.f32 $1.131370830e+01, v0;
	v1 =	vld [tilespmem:s30+$0xFFFFFFA0]  }
0xf4: {  	[tilespmem:s30+$0xFFFFFF40] =	vst v3;
	v3 =	vmul.f32 $1.131370830e+01, v5;
	v5 =	vld [tilespmem:s30+$0xFFFFFFB0]  }
0xf5: {  	[tilespmem:s30+$0xFFFFFF50] =	vst v0;
	v0 =	vmul.f32 $1.131370830e+01, v6;
	v6 =	vld [tilespmem:s30+$0xFFFFFFC0]  }
0xf6: {  	[tilespmem:s30+$0xFFFFFF60] =	vst v3;
	v2 =	vmul.f32 $1.131370830e+01, v2;
	v3 =	vld [tilespmem:s30+$0xFFFFFFD0]  }
0xf7: {  	[tilespmem:s30+$0xFFFFFF70] =	vst v0;
	v0 =	vmul.f32 $1.131370830e+01, v4;
	v4 =	vld [tilespmem:s30+$0xFFFFFFE0]  }
0xf8: {  	[tilespmem:s30+$0xFFFFFF80] =	vst v2;
	v1 =	vmul.f32 $1.131370830e+01, v1;
	v2 =	vld [tilespmem:s30+$0xFFFFFFF0]  }
0xf9: {  	[tilespmem:s30+$0xFFFFFF90] =	vst v0;
	v0 =	vmul.f32 $1.131370830e+01, v5;
	v5 =	vld [tilespmem:s30+$0x0]  }
0xfa: {  	[tilespmem:s30+$0xFFFFFFA0] =	vst v1;
	v1 =	vmul.f32 $1.131370830e+01, v6;
	v6 =	vld [tilespmem:s30+$0x10]  }
0xfb: {  	[tilespmem:s30+$0xFFFFFFB0] =	vst v0;
	v0 =	vmul.f32 $1.131370830e+01, v3;
	v3 =	vld [tilespmem:s30+$0x20]  }
0xfc: {  	[tilespmem:s30+$0xFFFFFFC0] =	vst v1;
	v1 =	vmul.f32 $1.131370830e+01, v4;
	v4 =	vld [tilespmem:s30+$0x30]  }
0xfd: {  	[tilespmem:s30+$0xFFFFFFD0] =	vst v0;
	v0 =	vmul.f32 $1.131370830e+01, v2;
	v2 =	vld [tilespmem:s30+$0x40]  }
0xfe: {  	[tilespmem:s30+$0xFFFFFFE0] =	vst v1;
	v1 =	vmul.f32 $1.131370830e+01, v5;
	v5 =	vld [tilespmem:s30+$0x50]  }
0xff: {  	[tilespmem:s30+$0xFFFFFFF0] =	vst v0;
	v0 =	vmul.f32 $1.131370830e+01, v6;
	v6 =	vld [tilespmem:s30+$0x60]  }
0x100: {  	[tilespmem:s30+$0x0] =	vst v1;
	v1 =	vmul.f32 $1.131370830e+01, v3;
	v3 =	vld [tilespmem:s30+$0x70]  }
0x101: {  	[tilespmem:s30+$0x10] =	vst v0;
	v0 =	vmul.f32 $1.131370830e+01, v4;
	v4 =	vld [tilespmem:s30+$0x80]  }
0x102: {  	[tilespmem:s30+$0x20] =	vst v1;
	v1 =	vmul.f32 $1.131370830e+01, v2;
	v7 =	vld [tilespmem:s30+$0x90]  }
0x103: {  	[tilespmem:s30+$0x30] =	vst v0;
	v2 =	vmul.f32 $1.131370830e+01, v5;
	v8 =	vld [tilespmem:s30+$0xA0]  }
.Ltmp4:
0x104: {  	[tilespmem:s30+$0x40] =	vst v1;
	v5 =	vmul.f32 $1.131370830e+01, v6;
	v0 =	vld [tilespmem:s30+$0xB0];
	(pc) =	sbr.rel @p1 .LBB2_7-.Ltmp4, $4  }
0x105: {  	[tilespmem:s30+$0x50] =	vst v2;
	v3 =	vmul.f32 $1.131370830e+01, v3;
	v1 =	vld [tilespmem:s30+$0xC0]  }
0x106: {  	[tilespmem:s30+$0x60] =	vst v5;
	v6 =	vmul.f32 $1.131370830e+01, v4;
	v2 =	vld [tilespmem:s30+$0xD0]  }
0x107: {  	[tilespmem:s30+$0x70] =	vst v3;
	v5 =	vmul.f32 $1.131370830e+01, v7;
	v3 =	vld [tilespmem:s30+$0xE0]  }
0x108: {  	s30 =	sadd.s32 $0x200, s30;
	v4 =	vld [tilespmem:s29+$0xFFFFFF00];
	[tilespmem:s29+$0x80] =	vst v6;
	v6 =	vmul.f32 $1.131370830e+01, v8  }
0x109: {  	[tilespmem:s29+$0x90] =	vst v5;
	v0 =	vmul.f32 $1.131370830e+01, v0  }
0x10a: {  	[tilespmem:s29+$0xA0] =	vst v6;
	v1 =	vmul.f32 $1.131370830e+01, v1  }
0x10b: {  	[tilespmem:s29+$0xB0] =	vst v0;
	v0 =	vmul.f32 $1.131370830e+01, v2  }
0x10c: {  	[tilespmem:s29+$0xC0] =	vst v1;
	v1 =	vmul.f32 $1.131370830e+01, v3  }
0x10d: {  	v2 =	vmul.f32 $1.131370830e+01, v4;
	[tilespmem:s29+$0xD0] =	vst v0  }
0x10e: {  	s28 =	smul.u32 $0x14000, s24;
	[tilespmem:s29+$0xE0] =	vst v1  }
0x10f: {  	[tilespmem:s29+$0xFFFFFF00] =	vst v2  }
0x110: {  	s29 =	sadd.s32 s9, s28;
	_ =	swait.ge [sflag:s22], $0x4000  }
0x111: {  	s29 =	sshrl.u32 s29, $0x3;
	[sflag:s22] =	ssyncset.done $0x0  }
0x112: {  	s29 =	sadd.s32 s3, s29;
	[sflag:s22] =	ssyncadd.s32 $0xFFFFC000  }
0x113: {  	[hbm4b:s29+s4] =	stream.linear.scatter [tilespmem:s17], [sflag:$0x2], $0x4000, $0x38;
	[tilespmem:$0x15C00] =	vst v63  }
0x114: {  	s30 =	simm.s32 @!p0 $0x80;
	s31 =	simm.s32 @!p0 $0x5C00;
	s29 =	sadd.s32 @!p0 $0x300, s26  }
0x115: {  	[tilespmem:s31], [sflag:$0x1] =	stream.indirect.gather @!p0 [hbm4b:s1+s30], $0x80, s29, s30, $0xb8;
	[tilespmem:$0x15C00] =	vst v63  }
0x116: {  	_ =	swait.ge [sflag:s20], $0x4000  }
0x117: {  	[sflag:s20] =	ssyncset.done $0x0  }
0x118: {  	s29 =	simm.s32 $0xDD00;
	[sflag:s20] =	ssyncadd.s32 $0xFFFFC000  }
0x119: {  	v0 =	vld [tilespmem:s29+$0xF0]  }
0x11a: {  	v1 =	vld [tilespmem:s29+$0xFFFFFF10]  }
0x11b: {  	v2 =	vld [tilespmem:s29+$0xFFFFFF20]  }
0x11c: {  	v3 =	vld [tilespmem:s29+$0xFFFFFF30]  }
0x11d: {  	v6 =	vld [tilespmem:s29+$0xFFFFFF60]  }
0x11e: {  	v4 =	vld [tilespmem:s29+$0xFFFFFF40]  }
0x11f: {  	v5 =	vld [tilespmem:s29+$0xFFFFFF50];
	v0 =	vmul.f32 $1.131370830e+01, v0  }
0x120: {  	v8 =	vld [tilespmem:s29+$0xFFFFFF80];
	v1 =	vmul.f32 $1.131370830e+01, v1  }
0x121: {  	v7 =	vld [tilespmem:s29+$0xFFFFFF70];
	v2 =	vmul.f32 $1.131370830e+01, v2;
	[tilespmem:s29+$0xF0] =	vst v0  }
0x122: {  	v6 =	vmul.f32 $1.131370830e+01, v6;
	v0 =	vld [tilespmem:s29+$0xFFFFFF90];
	[tilespmem:s29+$0xFFFFFF10] =	vst v1  }
0x123: {  	v1 =	vmul.f32 $1.131370830e+01, v3;
	v3 =	vld [tilespmem:s29+$0xFFFFFFA0];
	[tilespmem:s29+$0xFFFFFF20] =	vst v2;
	v2 =	vmul.f32 $1.131370830e+01, v4  }
0x124: {  	[tilespmem:s29+$0xFFFFFF60] =	vst v6;
	v6 =	vld [tilespmem:s29+$0xFFFFFFF0]  }
0x125: {  	v4 =	vld [tilespmem:s29+$0xFFFFFFB0];
	[tilespmem:s29+$0xFFFFFF40] =	vst v2;
	v2 =	vmul.f32 $1.131370830e+01, v8  }
0x126: {  	[tilespmem:s29+$0xFFFFFF30] =	vst v1;
	v1 =	vmul.f32 $1.131370830e+01, v5;
	v5 =	vld [tilespmem:s29+$0xFFFFFFC0]  }
0x127: {  	v8 =	vld [tilespmem:s29+$0xFFFFFFD0];
	[tilespmem:s29+$0xFFFFFF80] =	vst v2;
	v2 =	vmul.f32 $1.131370830e+01, v7  }
0x128: {  	[tilespmem:s29+$0xFFFFFF50] =	vst v1;
	v1 =	vld [tilespmem:s29+$0xFFFFFFE0];
	v0 =	vmul.f32 $1.131370830e+01, v0  }
0x129: {  	v7 =	vld [tilespmem:s29+$0x30];
	v6 =	vmul.f32 $1.131370830e+01, v6;
	[tilespmem:s29+$0xFFFFFF70] =	vst v2  }
0x12a: {  	v2 =	vmul.f32 $1.131370830e+01, v3;
	v3 =	vld [tilespmem:s29+$0x0];
	[tilespmem:s29+$0xFFFFFF90] =	vst v0  }
0x12b: {  	v0 =	vmul.f32 $1.131370830e+01, v4;
	v4 =	vld [tilespmem:s29+$0x10];
	[tilespmem:s29+$0xFFFFFFF0] =	vst v6  }
0x12c: {  	[tilespmem:s29+$0xFFFFFFA0] =	vst v2;
	v2 =	vmul.f32 $1.131370830e+01, v5;
	v5 =	vld [tilespmem:s29+$0x20]  }
0x12d: {  	v6 =	vld [tilespmem:s29+$0x80];
	[tilespmem:s29+$0xFFFFFFB0] =	vst v0;
	v0 =	vmul.f32 $1.131370830e+01, v8  }
0x12e: {  	v1 =	vmul.f32 $1.131370830e+01, v1;
	[tilespmem:s29+$0xFFFFFFC0] =	vst v2;
	v2 =	vld [tilespmem:s29+$0x40]  }
0x12f: {  	[tilespmem:s29+$0xFFFFFFD0] =	vst v0;
	v0 =	vmul.f32 $1.131370830e+01, v3  }
0x130: {  	v3 =	vld [tilespmem:s29+$0x50];
	[tilespmem:s29+$0xFFFFFFE0] =	vst v1;
	v4 =	vmul.f32 $1.131370830e+01, v4  }
0x131: {  	v1 =	vld [tilespmem:s29+$0x60];
	[tilespmem:s29+$0x0] =	vst v0;
	v0 =	vmul.f32 $1.131370830e+01, v5  }
0x132: {  	v6 =	vmul.f32 $1.131370830e+01, v6;
	v5 =	vld [tilespmem:s29+$0x70];
	[tilespmem:s29+$0x10] =	vst v4  }
0x133: {  	v4 =	vmul.f32 $1.131370830e+01, v7;
	v7 =	vld [tilespmem:s29+$0x90];
	[tilespmem:s29+$0x20] =	vst v0;
	v0 =	vmul.f32 $1.131370830e+01, v2  }
0x134: {  	v8 =	vld [tilespmem:s29+$0xA0];
	[tilespmem:s29+$0x80] =	vst v6  }
0x135: {  	v2 =	vmul.f32 $1.131370830e+01, v3;
	[tilespmem:s29+$0x40] =	vst v0;
	v0 =	vld [tilespmem:s29+$0xB0]  }
0x136: {  	[tilespmem:s29+$0x30] =	vst v4;
	v3 =	vmul.f32 $1.131370830e+01, v1;
	v1 =	vld [tilespmem:s29+$0xC0]  }
0x137: {  	[tilespmem:s29+$0x50] =	vst v2;
	v4 =	vmul.f32 $1.131370830e+01, v5;
	v2 =	vld [tilespmem:s29+$0xD0]  }
0x138: {  	[tilespmem:s29+$0x60] =	vst v3;
	v3 =	vld [tilespmem:s29+$0xE0];
	v5 =	vmul.f32 $1.131370830e+01, v7  }
0x139: {  	s30 =	simm.s32 $0x0;
	s31 =	simm.s32 $0xDF00;
	v6 =	vmul.f32 $1.131370830e+01, v8;
	[tilespmem:s29+$0x70] =	vst v4;
	v4 =	vld [tilespmem:s29+$0xFFFFFF00]  }
.LBB2_9:
0x13a: {  	v7 =	vld [tilespmem:s31+$0xF0];
	s30 =	sadd.s32 $0x4, s30;
	[tilespmem:s29+$0x90] =	vst v5;
	v0 =	vmul.f32 $1.131370830e+01, v0  }
0x13b: {  	v5 =	vld [tilespmem:s31+$0xFFFFFF10];
	p1 =	slt.u32 s30, $0x7C;
	[tilespmem:s29+$0xA0] =	vst v6;
	v1 =	vmul.f32 $1.131370830e+01, v1  }
0x13c: {  	v6 =	vld [tilespmem:s31+$0xFFFFFF20];
	[tilespmem:s29+$0xB0] =	vst v0;
	v0 =	vmul.f32 $1.131370830e+01, v2  }
0x13d: {  	v2 =	vld [tilespmem:s31+$0xFFFFFF30];
	[tilespmem:s29+$0xC0] =	vst v1;
	v1 =	vmul.f32 $1.131370830e+01, v3  }
0x13e: {  	v3 =	vld [tilespmem:s31+$0xFFFFFF40];
	v4 =	vmul.f32 $1.131370830e+01, v4;
	[tilespmem:s29+$0xD0] =	vst v0  }
0x13f: {  	v0 =	vld [tilespmem:s31+$0xFFFFFF50];
	v7 =	vmul.f32 $1.131370830e+01, v7;
	[tilespmem:s29+$0xE0] =	vst v1  }
0x140: {  	v1 =	vmul.f32 $1.131370830e+01, v5;
	v5 =	vld [tilespmem:s31+$0xFFFFFF60];
	[tilespmem:s29+$0xFFFFFF00] =	vst v4;
	s29 =	smov.u32 s31  }
0x141: {  	v4 =	vmul.f32 $1.131370830e+01, v6;
	v6 =	vld [tilespmem:s31+$0xFFFFFF70];
	[tilespmem:s31+$0xF0] =	vst v7  }
0x142: {  	[tilespmem:s31+$0xFFFFFF10] =	vst v1;
	v1 =	vmul.f32 $1.131370830e+01, v2;
	v2 =	vld [tilespmem:s31+$0xFFFFFF80]  }
0x143: {  	[tilespmem:s31+$0xFFFFFF20] =	vst v4;
	v3 =	vmul.f32 $1.131370830e+01, v3;
	v4 =	vld [tilespmem:s31+$0xFFFFFF90]  }
0x144: {  	[tilespmem:s31+$0xFFFFFF30] =	vst v1;
	v0 =	vmul.f32 $1.131370830e+01, v0;
	v1 =	vld [tilespmem:s31+$0xFFFFFFA0]  }
0x145: {  	[tilespmem:s31+$0xFFFFFF40] =	vst v3;
	v3 =	vmul.f32 $1.131370830e+01, v5;
	v5 =	vld [tilespmem:s31+$0xFFFFFFB0]  }
0x146: {  	[tilespmem:s31+$0xFFFFFF50] =	vst v0;
	v0 =	vmul.f32 $1.131370830e+01, v6;
	v6 =	vld [tilespmem:s31+$0xFFFFFFC0]  }
0x147: {  	[tilespmem:s31+$0xFFFFFF60] =	vst v3;
	v2 =	vmul.f32 $1.131370830e+01, v2;
	v3 =	vld [tilespmem:s31+$0xFFFFFFD0]  }
0x148: {  	[tilespmem:s31+$0xFFFFFF70] =	vst v0;
	v0 =	vmul.f32 $1.131370830e+01, v4;
	v4 =	vld [tilespmem:s31+$0xFFFFFFE0]  }
0x149: {  	[tilespmem:s31+$0xFFFFFF80] =	vst v2;
	v1 =	vmul.f32 $1.131370830e+01, v1;
	v2 =	vld [tilespmem:s31+$0xFFFFFFF0]  }
0x14a: {  	[tilespmem:s31+$0xFFFFFF90] =	vst v0;
	v0 =	vmul.f32 $1.131370830e+01, v5;
	v5 =	vld [tilespmem:s31+$0x0]  }
0x14b: {  	[tilespmem:s31+$0xFFFFFFA0] =	vst v1;
	v1 =	vmul.f32 $1.131370830e+01, v6;
	v6 =	vld [tilespmem:s31+$0x10]  }
0x14c: {  	[tilespmem:s31+$0xFFFFFFB0] =	vst v0;
	v0 =	vmul.f32 $1.131370830e+01, v3;
	v3 =	vld [tilespmem:s31+$0x20]  }
0x14d: {  	[tilespmem:s31+$0xFFFFFFC0] =	vst v1;
	v1 =	vmul.f32 $1.131370830e+01, v4;
	v4 =	vld [tilespmem:s31+$0x30]  }
0x14e: {  	[tilespmem:s31+$0xFFFFFFD0] =	vst v0;
	v0 =	vmul.f32 $1.131370830e+01, v2;
	v2 =	vld [tilespmem:s31+$0x40]  }
0x14f: {  	[tilespmem:s31+$0xFFFFFFE0] =	vst v1;
	v1 =	vmul.f32 $1.131370830e+01, v5;
	v5 =	vld [tilespmem:s31+$0x50]  }
0x150: {  	[tilespmem:s31+$0xFFFFFFF0] =	vst v0;
	v0 =	vmul.f32 $1.131370830e+01, v6;
	v6 =	vld [tilespmem:s31+$0x60]  }
0x151: {  	[tilespmem:s31+$0x0] =	vst v1;
	v1 =	vmul.f32 $1.131370830e+01, v3;
	v3 =	vld [tilespmem:s31+$0x70]  }
0x152: {  	[tilespmem:s31+$0x10] =	vst v0;
	v0 =	vmul.f32 $1.131370830e+01, v4;
	v4 =	vld [tilespmem:s31+$0x80]  }
0x153: {  	[tilespmem:s31+$0x20] =	vst v1;
	v1 =	vmul.f32 $1.131370830e+01, v2;
	v7 =	vld [tilespmem:s31+$0x90]  }
0x154: {  	[tilespmem:s31+$0x30] =	vst v0;
	v2 =	vmul.f32 $1.131370830e+01, v5;
	v8 =	vld [tilespmem:s31+$0xA0]  }
.Ltmp5:
0x155: {  	[tilespmem:s31+$0x40] =	vst v1;
	v5 =	vmul.f32 $1.131370830e+01, v6;
	v0 =	vld [tilespmem:s31+$0xB0];
	(pc) =	sbr.rel @p1 .LBB2_9-.Ltmp5, $4  }
0x156: {  	[tilespmem:s31+$0x50] =	vst v2;
	v3 =	vmul.f32 $1.131370830e+01, v3;
	v1 =	vld [tilespmem:s31+$0xC0]  }
0x157: {  	[tilespmem:s31+$0x60] =	vst v5;
	v6 =	vmul.f32 $1.131370830e+01, v4;
	v2 =	vld [tilespmem:s31+$0xD0]  }
0x158: {  	[tilespmem:s31+$0x70] =	vst v3;
	v5 =	vmul.f32 $1.131370830e+01, v7;
	v3 =	vld [tilespmem:s31+$0xE0]  }
0x159: {  	s31 =	sadd.s32 $0x200, s31;
	v4 =	vld [tilespmem:s29+$0xFFFFFF00];
	[tilespmem:s29+$0x80] =	vst v6;
	v6 =	vmul.f32 $1.131370830e+01, v8  }
0x15a: {  	[tilespmem:s29+$0x90] =	vst v5;
	v0 =	vmul.f32 $1.131370830e+01, v0  }
0x15b: {  	[tilespmem:s29+$0xA0] =	vst v6;
	v1 =	vmul.f32 $1.131370830e+01, v1  }
0x15c: {  	[tilespmem:s29+$0xB0] =	vst v0;
	v0 =	vmul.f32 $1.131370830e+01, v2  }
0x15d: {  	[tilespmem:s29+$0xC0] =	vst v1;
	v1 =	vmul.f32 $1.131370830e+01, v3  }
0x15e: {  	v2 =	vmul.f32 $1.131370830e+01, v4;
	[tilespmem:s29+$0xD0] =	vst v0  }
0x15f: {  	[tilespmem:s29+$0xE0] =	vst v1  }
0x160: {  	[tilespmem:s29+$0xFFFFFF00] =	vst v2  }
0x161: {  	s28 =	sadd.s32 s10, s28;
	_ =	swait.ge [sflag:s22], $0x4000  }
0x162: {  	s28 =	sshrl.u32 s28, $0x3;
	[sflag:s22] =	ssyncset.done $0x0  }
0x163: {  	s28 =	sadd.s32 s3, s28;
	[sflag:s22] =	ssyncadd.s32 $0xFFFFC000  }
0x164: {  	[hbm4b:s28+s4] =	stream.linear.scatter [tilespmem:s19], [sflag:$0x2], $0x4000, $0x38;
	[tilespmem:$0x15C00] =	vst v63  }
0x165: {  	s26 =	sadd.s32 @!p0 $0x380, s26;
	s29 =	simm.s32 @!p0 $0x9C00;
	s28 =	simm.s32 @!p0 $0x80  }
0x166: {  	[tilespmem:s29], [sflag:$0x1] =	stream.indirect.gather @!p0 [hbm4b:s1+s28], $0x80, s26, s28, $0xb8;
	[tilespmem:$0x15C00] =	vst v63  }
0x167: {  	_ =	swait.ge [sflag:s20], $0x4000  }
0x168: {  	[sflag:s20] =	ssyncset.done $0x0  }
0x169: {  	s26 =	simm.s32 $0x11D00;
	[sflag:s20] =	ssyncadd.s32 $0xFFFFC000  }
0x16a: {  	v0 =	vld [tilespmem:s26+$0xF0]  }
0x16b: {  	v1 =	vld [tilespmem:s26+$0xFFFFFF10]  }
0x16c: {  	v2 =	vld [tilespmem:s26+$0xFFFFFF20]  }
0x16d: {  	v3 =	vld [tilespmem:s26+$0xFFFFFF30]  }
0x16e: {  	v6 =	vld [tilespmem:s26+$0xFFFFFF60]  }
0x16f: {  	v4 =	vld [tilespmem:s26+$0xFFFFFF40]  }
0x170: {  	v5 =	vld [tilespmem:s26+$0xFFFFFF50];
	v0 =	vmul.f32 $1.131370830e+01, v0  }
0x171: {  	v8 =	vld [tilespmem:s26+$0xFFFFFF80];
	v1 =	vmul.f32 $1.131370830e+01, v1  }
0x172: {  	v7 =	vld [tilespmem:s26+$0xFFFFFF70];
	v2 =	vmul.f32 $1.131370830e+01, v2;
	[tilespmem:s26+$0xF0] =	vst v0  }
0x173: {  	v6 =	vmul.f32 $1.131370830e+01, v6;
	v0 =	vld [tilespmem:s26+$0xFFFFFF90];
	[tilespmem:s26+$0xFFFFFF10] =	vst v1  }
0x174: {  	v1 =	vmul.f32 $1.131370830e+01, v3;
	v3 =	vld [tilespmem:s26+$0xFFFFFFA0];
	[tilespmem:s26+$0xFFFFFF20] =	vst v2;
	v2 =	vmul.f32 $1.131370830e+01, v4  }
0x175: {  	[tilespmem:s26+$0xFFFFFF60] =	vst v6;
	v6 =	vld [tilespmem:s26+$0xFFFFFFF0]  }
0x176: {  	v4 =	vld [tilespmem:s26+$0xFFFFFFB0];
	[tilespmem:s26+$0xFFFFFF40] =	vst v2;
	v2 =	vmul.f32 $1.131370830e+01, v8  }
0x177: {  	[tilespmem:s26+$0xFFFFFF30] =	vst v1;
	v1 =	vmul.f32 $1.131370830e+01, v5;
	v5 =	vld [tilespmem:s26+$0xFFFFFFC0]  }
0x178: {  	v8 =	vld [tilespmem:s26+$0xFFFFFFD0];
	[tilespmem:s26+$0xFFFFFF80] =	vst v2;
	v2 =	vmul.f32 $1.131370830e+01, v7  }
0x179: {  	[tilespmem:s26+$0xFFFFFF50] =	vst v1;
	v1 =	vld [tilespmem:s26+$0xFFFFFFE0];
	v0 =	vmul.f32 $1.131370830e+01, v0  }
0x17a: {  	v7 =	vld [tilespmem:s26+$0x30];
	v6 =	vmul.f32 $1.131370830e+01, v6;
	[tilespmem:s26+$0xFFFFFF70] =	vst v2  }
0x17b: {  	v2 =	vmul.f32 $1.131370830e+01, v3;
	v3 =	vld [tilespmem:s26+$0x0];
	[tilespmem:s26+$0xFFFFFF90] =	vst v0  }
0x17c: {  	v0 =	vmul.f32 $1.131370830e+01, v4;
	v4 =	vld [tilespmem:s26+$0x10];
	[tilespmem:s26+$0xFFFFFFF0] =	vst v6  }
0x17d: {  	[tilespmem:s26+$0xFFFFFFA0] =	vst v2;
	v2 =	vmul.f32 $1.131370830e+01, v5;
	v5 =	vld [tilespmem:s26+$0x20]  }
0x17e: {  	v6 =	vld [tilespmem:s26+$0x80];
	[tilespmem:s26+$0xFFFFFFB0] =	vst v0;
	v0 =	vmul.f32 $1.131370830e+01, v8  }
0x17f: {  	v1 =	vmul.f32 $1.131370830e+01, v1;
	[tilespmem:s26+$0xFFFFFFC0] =	vst v2;
	v2 =	vld [tilespmem:s26+$0x40]  }
0x180: {  	[tilespmem:s26+$0xFFFFFFD0] =	vst v0;
	v0 =	vmul.f32 $1.131370830e+01, v3  }
0x181: {  	v3 =	vld [tilespmem:s26+$0x50];
	[tilespmem:s26+$0xFFFFFFE0] =	vst v1;
	v4 =	vmul.f32 $1.131370830e+01, v4  }
0x182: {  	v1 =	vld [tilespmem:s26+$0x60];
	[tilespmem:s26+$0x0] =	vst v0;
	v0 =	vmul.f32 $1.131370830e+01, v5  }
0x183: {  	v6 =	vmul.f32 $1.131370830e+01, v6;
	v5 =	vld [tilespmem:s26+$0x70];
	[tilespmem:s26+$0x10] =	vst v4  }
0x184: {  	v4 =	vmul.f32 $1.131370830e+01, v7;
	v7 =	vld [tilespmem:s26+$0x90];
	[tilespmem:s26+$0x20] =	vst v0;
	v0 =	vmul.f32 $1.131370830e+01, v2  }
0x185: {  	v8 =	vld [tilespmem:s26+$0xA0];
	[tilespmem:s26+$0x80] =	vst v6  }
0x186: {  	v2 =	vmul.f32 $1.131370830e+01, v3;
	[tilespmem:s26+$0x40] =	vst v0;
	v0 =	vld [tilespmem:s26+$0xB0]  }
0x187: {  	[tilespmem:s26+$0x30] =	vst v4;
	v3 =	vmul.f32 $1.131370830e+01, v1;
	v1 =	vld [tilespmem:s26+$0xC0]  }
0x188: {  	[tilespmem:s26+$0x50] =	vst v2;
	v4 =	vmul.f32 $1.131370830e+01, v5;
	v2 =	vld [tilespmem:s26+$0xD0]  }
0x189: {  	[tilespmem:s26+$0x60] =	vst v3;
	v3 =	vld [tilespmem:s26+$0xE0];
	v5 =	vmul.f32 $1.131370830e+01, v7  }
0x18a: {  	s28 =	simm.s32 $0x0;
	s29 =	simm.s32 $0x11F00;
	v6 =	vmul.f32 $1.131370830e+01, v8;
	[tilespmem:s26+$0x70] =	vst v4;
	v4 =	vld [tilespmem:s26+$0xFFFFFF00]  }
.LBB2_11:
0x18b: {  	v7 =	vld [tilespmem:s29+$0xF0];
	s28 =	sadd.s32 $0x4, s28;
	[tilespmem:s26+$0x90] =	vst v5;
	v0 =	vmul.f32 $1.131370830e+01, v0  }
0x18c: {  	v5 =	vld [tilespmem:s29+$0xFFFFFF10];
	p1 =	slt.u32 s28, $0x7C;
	[tilespmem:s26+$0xA0] =	vst v6;
	v1 =	vmul.f32 $1.131370830e+01, v1  }
0x18d: {  	v6 =	vld [tilespmem:s29+$0xFFFFFF20];
	[tilespmem:s26+$0xB0] =	vst v0;
	v0 =	vmul.f32 $1.131370830e+01, v2  }
0x18e: {  	v2 =	vld [tilespmem:s29+$0xFFFFFF30];
	[tilespmem:s26+$0xC0] =	vst v1;
	v1 =	vmul.f32 $1.131370830e+01, v3  }
0x18f: {  	v3 =	vld [tilespmem:s29+$0xFFFFFF40];
	v4 =	vmul.f32 $1.131370830e+01, v4;
	[tilespmem:s26+$0xD0] =	vst v0  }
0x190: {  	v0 =	vld [tilespmem:s29+$0xFFFFFF50];
	v7 =	vmul.f32 $1.131370830e+01, v7;
	[tilespmem:s26+$0xE0] =	vst v1  }
0x191: {  	v1 =	vmul.f32 $1.131370830e+01, v5;
	v5 =	vld [tilespmem:s29+$0xFFFFFF60];
	[tilespmem:s26+$0xFFFFFF00] =	vst v4;
	s26 =	smov.u32 s29  }
0x192: {  	v4 =	vmul.f32 $1.131370830e+01, v6;
	v6 =	vld [tilespmem:s29+$0xFFFFFF70];
	[tilespmem:s29+$0xF0] =	vst v7  }
0x193: {  	[tilespmem:s29+$0xFFFFFF10] =	vst v1;
	v1 =	vmul.f32 $1.131370830e+01, v2;
	v2 =	vld [tilespmem:s29+$0xFFFFFF80]  }
0x194: {  	[tilespmem:s29+$0xFFFFFF20] =	vst v4;
	v3 =	vmul.f32 $1.131370830e+01, v3;
	v4 =	vld [tilespmem:s29+$0xFFFFFF90]  }
0x195: {  	[tilespmem:s29+$0xFFFFFF30] =	vst v1;
	v0 =	vmul.f32 $1.131370830e+01, v0;
	v1 =	vld [tilespmem:s29+$0xFFFFFFA0]  }
0x196: {  	[tilespmem:s29+$0xFFFFFF40] =	vst v3;
	v3 =	vmul.f32 $1.131370830e+01, v5;
	v5 =	vld [tilespmem:s29+$0xFFFFFFB0]  }
0x197: {  	[tilespmem:s29+$0xFFFFFF50] =	vst v0;
	v0 =	vmul.f32 $1.131370830e+01, v6;
	v6 =	vld [tilespmem:s29+$0xFFFFFFC0]  }
0x198: {  	[tilespmem:s29+$0xFFFFFF60] =	vst v3;
	v2 =	vmul.f32 $1.131370830e+01, v2;
	v3 =	vld [tilespmem:s29+$0xFFFFFFD0]  }
0x199: {  	[tilespmem:s29+$0xFFFFFF70] =	vst v0;
	v0 =	vmul.f32 $1.131370830e+01, v4;
	v4 =	vld [tilespmem:s29+$0xFFFFFFE0]  }
0x19a: {  	[tilespmem:s29+$0xFFFFFF80] =	vst v2;
	v1 =	vmul.f32 $1.131370830e+01, v1;
	v2 =	vld [tilespmem:s29+$0xFFFFFFF0]  }
0x19b: {  	[tilespmem:s29+$0xFFFFFF90] =	vst v0;
	v0 =	vmul.f32 $1.131370830e+01, v5;
	v5 =	vld [tilespmem:s29+$0x0]  }
0x19c: {  	[tilespmem:s29+$0xFFFFFFA0] =	vst v1;
	v1 =	vmul.f32 $1.131370830e+01, v6;
	v6 =	vld [tilespmem:s29+$0x10]  }
0x19d: {  	[tilespmem:s29+$0xFFFFFFB0] =	vst v0;
	v0 =	vmul.f32 $1.131370830e+01, v3;
	v3 =	vld [tilespmem:s29+$0x20]  }
0x19e: {  	[tilespmem:s29+$0xFFFFFFC0] =	vst v1;
	v1 =	vmul.f32 $1.131370830e+01, v4;
	v4 =	vld [tilespmem:s29+$0x30]  }
0x19f: {  	[tilespmem:s29+$0xFFFFFFD0] =	vst v0;
	v0 =	vmul.f32 $1.131370830e+01, v2;
	v2 =	vld [tilespmem:s29+$0x40]  }
0x1a0: {  	[tilespmem:s29+$0xFFFFFFE0] =	vst v1;
	v1 =	vmul.f32 $1.131370830e+01, v5;
	v5 =	vld [tilespmem:s29+$0x50]  }
0x1a1: {  	[tilespmem:s29+$0xFFFFFFF0] =	vst v0;
	v0 =	vmul.f32 $1.131370830e+01, v6;
	v6 =	vld [tilespmem:s29+$0x60]  }
0x1a2: {  	[tilespmem:s29+$0x0] =	vst v1;
	v1 =	vmul.f32 $1.131370830e+01, v3;
	v3 =	vld [tilespmem:s29+$0x70]  }
0x1a3: {  	[tilespmem:s29+$0x10] =	vst v0;
	v0 =	vmul.f32 $1.131370830e+01, v4;
	v4 =	vld [tilespmem:s29+$0x80]  }
0x1a4: {  	[tilespmem:s29+$0x20] =	vst v1;
	v1 =	vmul.f32 $1.131370830e+01, v2;
	v7 =	vld [tilespmem:s29+$0x90]  }
0x1a5: {  	[tilespmem:s29+$0x30] =	vst v0;
	v2 =	vmul.f32 $1.131370830e+01, v5;
	v8 =	vld [tilespmem:s29+$0xA0]  }
.Ltmp6:
0x1a6: {  	[tilespmem:s29+$0x40] =	vst v1;
	v5 =	vmul.f32 $1.131370830e+01, v6;
	v0 =	vld [tilespmem:s29+$0xB0];
	(pc) =	sbr.rel @p1 .LBB2_11-.Ltmp6, $4  }
0x1a7: {  	[tilespmem:s29+$0x50] =	vst v2;
	v3 =	vmul.f32 $1.131370830e+01, v3;
	v1 =	vld [tilespmem:s29+$0xC0]  }
0x1a8: {  	[tilespmem:s29+$0x60] =	vst v5;
	v6 =	vmul.f32 $1.131370830e+01, v4;
	v2 =	vld [tilespmem:s29+$0xD0]  }
0x1a9: {  	[tilespmem:s29+$0x70] =	vst v3;
	v5 =	vmul.f32 $1.131370830e+01, v7;
	v3 =	vld [tilespmem:s29+$0xE0]  }
0x1aa: {  	s29 =	sadd.s32 $0x200, s29;
	v4 =	vld [tilespmem:s26+$0xFFFFFF00];
	[tilespmem:s26+$0x80] =	vst v6;
	v6 =	vmul.f32 $1.131370830e+01, v8  }
0x1ab: {  	[tilespmem:s26+$0x90] =	vst v5;
	v0 =	vmul.f32 $1.131370830e+01, v0  }
0x1ac: {  	[tilespmem:s26+$0xA0] =	vst v6;
	v1 =	vmul.f32 $1.131370830e+01, v1  }
0x1ad: {  	[tilespmem:s26+$0xB0] =	vst v0;
	v61 =	vmul.f32 $1.131370830e+01, v2  }
0x1ae: {  	[tilespmem:s26+$0xC0] =	vst v1;
	v62 =	vmul.f32 $1.131370830e+01, v3  }
0x1af: {  	v63 =	vmul.f32 $1.131370830e+01, v4;
	[tilespmem:s26+$0xD0] =	vst v61  }
0x1b0: {  	[tilespmem:s26+$0xE0] =	vst v62  }
.Ltmp7:
0x1b1: {  	s25 =	sshll.u32 s25, $0xE;
	[tilespmem:s26+$0xFFFFFF00] =	vst v63;
	(pc) =	sbr.rel @p0 .LBB2_14-.Ltmp7, $4  }
0x1b2: {  	s25 =	sadd.s32 s6, s25;
	_ =	swait.ge [sflag:s22], $0x4000  }
0x1b3: {  	s25 =	sshrl.u32 s25, $0x3;
	[sflag:s22] =	ssyncset.done $0x0  }
0x1b4: {  	s25 =	sadd.s32 s3, s25;
	[sflag:s22] =	ssyncadd.s32 $0xFFFFC000  }
0x1b5: {  	[hbm4b:s25+s4] =	stream.linear.scatter [tilespmem:s21], [sflag:$0x2], $0x4000, $0x38;
	[tilespmem:$0x15C00] =	vst v63  }
0x1b6: {  	s25 =	smul.u32 $0xA00, s24  }
.Ltmp8:
0x1b7: {  	_ = 	snop;
	(pc) =	sbr.rel .LBB2_2-.Ltmp8, $4  }
0x1b8: {  	_ = 	snop  }
0x1b9: {  	s25 =	sshra.s32 s25, $0x2  }
0x1ba: {  	s24 =	sadd.s32 $0x1, s24;
	s25 =	sadd.s32 $0x400, s25  }
0x1bb: {  	[tilespmem:s19], [sflag:$0x1] =	stream.indirect.gather [hbm4b:s1+s13], $0x80, s25, s13, $0xb8;
	[tilespmem:$0x15C00] =	vst v63  }
.LBB2_15:
0x1bc: {  	_ =	sfence.sel $0x180000  }
0x1bd: {  	[bflag:$0x0] =	sbarrier.arrive $0xFFFF  }
0x1be: {  	p0 =	sne.s32 s0, $0x0;
	_ =	strace $0x90000047  }
0x1bf: {  	s0 =	sadd.s32 @!p0 $0x100000, s2;
	[bflag:$0x2] =	sbarrier.arrive $0xFFFF  }
0x1c0: {  	[sflag:s0] =	ssyncadd.tile.s32 @!p0 $0x1;
	_ =	shalt  }
.Lfunc_end2:
_tile_overlayer_lowered:
.L_overlay_start_2:
0x1c1: {  	(tag) =	ssettag $0x2  }
0x1c2: {  	s0 =	rddreg [dreg:$0x0];
	s2 =	stileid.u32  }
0x1c3: {  	s1 =	rddreg [dreg:$0x1];
	p0 =	sne.s32 s2, $0x0  }
0x1c4: {  	s3 =	rddreg [dreg:$0x2];
	[bflag:$0x3] =	sbarrier.arrive $0xFFFF;
	s2 =	simm.s32 @!p0 $0x1C03  }
0x1c5: {  	[timem:s3], [sflag:s2] =	dma.local @!p0 [hbm:s0], s1  }
0x1c6: {  	s0 =	simm.s32 @!p0 $0x3  }
0x1c7: {  	_ =	swait.ge @!p0 [sflag:s0], s1  }
0x1c8: {  	s1 =	ssub.s32 @!p0 $0x0, s1;
	[sflag:s0] =	ssyncset.done @!p0 $0x0  }
0x1c9: {  	[sflag:s0] =	ssyncadd.s32 @!p0 s1  }
0x1ca: {  	[bflag:$0x3] =	sbarrier.arrive $0xFFFF  }
0x1cb: {  	_ =	shalt  }

</sc_bundles>
